<compile_context>
chip_gen: v7x
topology: tpu7x:2x2x1
jax: 0.10.2.dev20260603
libtpu: 0.0.44.dev20260713+nightly
codegen_flags: <defaults>
</compile_context>

<pallas_src>
import functools

import jax
import jax.numpy as jnp
import numpy as np
from jax import lax
from jax.experimental import pallas as pl
from jax.experimental.pallas import tpu as pltpu
from jax.experimental.pallas import tpu_sc as plsc

NUM_NOISE = 64
NW = 32
P = 112
E = 128
EPS = 1e-8


def _tf2x32(k0, k1, x0, x1):
    rot = [(13, 15, 26, 6), (17, 29, 16, 24)]
    ks = [np.uint32(k0), np.uint32(k1), np.uint32(k0 ^ k1 ^ np.uint32(0x1BD11BDA))]
    x0 = (x0 + ks[0]).astype(np.uint32)
    x1 = (x1 + ks[1]).astype(np.uint32)
    for i in range(5):
        for r in rot[i % 2]:
            x0 = (x0 + x1).astype(np.uint32)
            x1 = ((x1 << np.uint32(r)) | (x1 >> np.uint32(32 - r))).astype(np.uint32)
            x1 = (x1 ^ x0).astype(np.uint32)
        x0 = (x0 + ks[(i + 1) % 3]).astype(np.uint32)
        x1 = (x1 + ks[(i + 2) % 3] + np.uint32(i + 1)).astype(np.uint32)
    return x0, x1


def _np_bits(k0, k1, size):
    n = np.arange(size, dtype=np.uint64)
    c1 = (n >> np.uint64(32)).astype(np.uint32)
    c2 = (n & np.uint64(0xFFFFFFFF)).astype(np.uint32)
    b1, b2 = _tf2x32(k0, k1, c1, c2)
    return (b1 ^ b2).astype(np.uint32)


def _np_randint(seed, shape, maxval):
    size = int(np.prod(shape))
    s0 = np.uint32((seed >> 32) & 0xFFFFFFFF)
    s1 = np.uint32(seed & 0xFFFFFFFF)
    sb1, sb2 = _tf2x32(s0, s1, np.zeros(2, np.uint32), np.arange(2, dtype=np.uint32))
    higher = _np_bits(sb1[0], sb2[0], size)
    lower = _np_bits(sb1[1], sb2[1], size)
    span = np.uint32(maxval)
    m = np.uint64(np.uint32(65536) % span)
    m = np.uint32((m * m) & np.uint64(0xFFFFFFFF)) % span
    off = (np.uint64(higher % span) * np.uint64(m)) & np.uint64(0xFFFFFFFF)
    off = np.uint32((off + np.uint64(lower % span)) & np.uint64(0xFFFFFFFF)) % span
    return off.astype(np.int32).reshape(shape)


@functools.lru_cache(maxsize=None)
def _plan(B, C):
    noise = _np_randint(1, (B, NUM_NOISE), C)
    nblk = C // 128
    cfull = nblk * 128
    bpw = -(-nblk // NW)
    if bpw % 2:
        bpw += 1
    slots = bpw * NW

    cnt, leftover = {}, {}
    for i in range(B):
        for c in noise[i]:
            c = int(c)
            d = leftover if c >= cfull else cnt
            d[(i, c)] = d.get((i, c), 0) + 1

    byblk = {}
    for (i, c), m in cnt.items():
        byblk.setdefault(c // 128, []).append((i, c, m))

    nrows = np.zeros((slots, P), np.int32)
    sel_row = np.zeros((slots, E), np.int32)
    sel_lane = np.zeros((slots, E), np.int32)
    wn = np.zeros((slots, E), np.float32)
    for b, lst in byblk.items():
        rows = sorted({i for (i, _, _) in lst})
        if len(rows) > P or len(lst) > E:
            raise ValueError("static plan padding overflow")
        rpos = {i: k for k, i in enumerate(rows)}
        nrows[b, : len(rows)] = rows
        for k, (i, c, m) in enumerate(sorted(lst)):
            sel_row[b, k] = rpos[i]
            sel_lane[b, k] = c % 128
            wn[b, k] = float(m)

    lo = sorted(leftover.items())
    nf = B + 32
    if len(lo) > 32:
        raise ValueError("partial-block overflow")
    t_rows = np.zeros((nf,), np.int32)
    t_rows[:B] = np.arange(B)
    lo_col = np.zeros((nf,), np.int32)
    lo_w = np.zeros((nf,), np.float32)
    for k, ((i, c), m) in enumerate(lo):
        t_rows[B + k] = i
        lo_col[B + k] = c
        lo_w[B + k] = float(m)

    return dict(
        nblk=nblk, bpw=bpw, slots=slots, nf=nf,
        nrows=nrows.reshape(-1), sel_row=sel_row.reshape(-1),
        sel_lane=sel_lane.reshape(-1), wn=wn.reshape(-1),
        t_rows=t_rows, lo_col=lo_col, lo_w=lo_w,
    )


def _sc_noise(plan, table, nrows, selr, sell):
    bpw, slots, nblk = plan["bpw"], plan["slots"], plan["nblk"]
    mesh = plsc.VectorSubcoreMesh(core_axis_name="c", subcore_axis_name="s")

    @functools.partial(
        pl.kernel,
        mesh=mesh,
        compiler_params=pltpu.CompilerParams(needs_layout_passes=False),
        out_type=jax.ShapeDtypeStruct((slots * E,), jnp.float32),
        scratch_types=[
            pltpu.VMEM((bpw * P,), jnp.int32),
            pltpu.VMEM((bpw * E,), jnp.int32),
            pltpu.VMEM((bpw * E,), jnp.int32),
            pltpu.VMEM((P, 128), jnp.float32),
            pltpu.VMEM((P, 128), jnp.float32),
            pltpu.VMEM((bpw * E,), jnp.float32),
            pltpu.SemaphoreType.DMA,
            pltpu.SemaphoreType.DMA,
        ],
    )
    def k(table_hbm, nrows_hbm, selr_hbm, sell_hbm, out_hbm,
          idx_v, sr_v, sl_v, buf0, buf1, val_v, sem0, sem1):
        wid = lax.axis_index("s") * 2 + lax.axis_index("c")
        pltpu.sync_copy(nrows_hbm.at[pl.ds(wid * bpw * P, bpw * P)], idx_v)
        pltpu.sync_copy(selr_hbm.at[pl.ds(wid * bpw * E, bpw * E)], sr_v)
        pltpu.sync_copy(sell_hbm.at[pl.ds(wid * bpw * E, bpw * E)], sl_v)
        def _src(t):
            blk = jnp.minimum(wid * bpw + t, nblk - 1)
            c0 = pl.multiple_of(blk * 128, 128)
            return table_hbm.at[idx_v.at[pl.ds(t * P, P)], pl.ds(c0, 128)]

        def fire(t, buf, sem):
            pltpu.async_copy(_src(t), buf, sem)

        def wait_for(t, buf, sem):
            pltpu.make_async_copy(_src(t), buf, sem).wait()

        def select(t, buf):
            def sel(e, carry):
                o = t * E + e * 16
                rid = sr_v[pl.ds(o, 16)]
                lid = sl_v[pl.ds(o, 16)]
                val_v[pl.ds(o, 16)] = plsc.load_gather(buf, [rid, lid])
                return carry

            lax.fori_loop(0, E // 16, sel, 0)

        fire(0, buf0, sem0)
        fire(1, buf1, sem1)

        def outer(g, carry):
            t0 = g * 2
            wait_for(t0, buf0, sem0)
            select(t0, buf0)
            fire(t0 + 2, buf0, sem0)
            wait_for(t0 + 1, buf1, sem1)
            select(t0 + 1, buf1)
            fire(t0 + 3, buf1, sem1)
            return carry

        lax.fori_loop(0, bpw // 2 - 1, outer, 0)
        wait_for(bpw - 2, buf0, sem0)
        select(bpw - 2, buf0)
        wait_for(bpw - 1, buf1, sem1)
        select(bpw - 1, buf1)
        pltpu.sync_copy(val_v, out_hbm.at[pl.ds(wid * bpw * E, bpw * E)])

    return k(table, nrows, selr, sell)


def _tc_targets(plan, logits, cols, rows, lane_rep, sub_rep, w_l, B):
    nf = plan["nf"]
    nr = nf * 8

    def body(cols_ref, rows_ref, lane_ref, sub_ref, w_ref, tab_ref, o_ref,
             buf, sem):
        def _src_dst(j):
            i0 = pl.multiple_of((rows_ref[j] // 8) * 8, 8)
            c0 = pl.multiple_of((cols_ref[j] // 128) * 128, 128)
            return tab_ref.at[pl.ds(i0, 8), pl.ds(c0, 128)], buf.at[pl.ds(j * 8, 8)]

        def fire(j, carry):
            src, dst = _src_dst(j)
            pltpu.make_async_copy(src, dst, sem).start()
            return carry

        lax.fori_loop(0, nf, fire, 0)

        def drain(j, carry):
            src, dst = _src_dst(j)
            pltpu.make_async_copy(src, dst, sem).wait()
            return carry

        lax.fori_loop(0, nf, drain, 0)

        x = buf[...]
        sub = lax.broadcasted_iota(jnp.int32, (nr, 128), 0) % 8
        sel = (sub == sub_ref[...]) & (
            lax.broadcasted_iota(jnp.int32, (nr, 128), 1) == lane_ref[...]
        )
        v = jnp.sum(
            jnp.sum(jnp.where(sel, x, 0.0), axis=1).reshape(nf, 8),
            axis=1, keepdims=True,
        )
        is_t = lax.broadcasted_iota(jnp.int32, (nf, 1), 0) < B
        sig = jax.nn.sigmoid(v)
        t_sum = jnp.sum(jnp.where(is_t, jnp.log(sig + EPS), 0.0))
        n_extra = jnp.sum(
            jnp.where(is_t, 0.0, w_ref[...] * jnp.log(1.0 - sig + EPS))
        )
        o_ref[0, 0] = t_sum
        o_ref[0, 1] = n_extra

    return pl.pallas_call(
        body,
        out_shape=jax.ShapeDtypeStruct((1, 2), jnp.float32),
        in_specs=[
            pl.BlockSpec(memory_space=pltpu.SMEM),
            pl.BlockSpec(memory_space=pltpu.SMEM),
            pl.BlockSpec(memory_space=pltpu.VMEM),
            pl.BlockSpec(memory_space=pltpu.VMEM),
            pl.BlockSpec(memory_space=pltpu.VMEM),
            pl.BlockSpec(memory_space=pltpu.HBM),
        ],
        out_specs=pl.BlockSpec(memory_space=pltpu.SMEM),
        scratch_shapes=[
            pltpu.VMEM((nr, 128), jnp.float32),
            pltpu.SemaphoreType.DMA,
        ],
    )(cols, rows, lane_rep, sub_rep, w_l, logits)


def _tc_combine(scvals2d, wn2d, partials, B):
    def body(sv_ref, wn_ref, p_ref, o_ref):
        sv = sv_ref[...]
        ns = jnp.sum(wn_ref[...] * jnp.log(1.0 - jax.nn.sigmoid(sv) + EPS))
        o_ref[0, 0] = -(
            p_ref[0, 0] / B + (ns + p_ref[0, 1]) / (B * NUM_NOISE)
        )

    return pl.pallas_call(
        body,
        out_shape=jax.ShapeDtypeStruct((1, 1), jnp.float32),
        in_specs=[
            pl.BlockSpec(memory_space=pltpu.VMEM),
            pl.BlockSpec(memory_space=pltpu.VMEM),
            pl.BlockSpec(memory_space=pltpu.SMEM),
        ],
        out_specs=pl.BlockSpec(memory_space=pltpu.SMEM),
    )(scvals2d, wn2d, partials)


def kernel(logits, targets):
    B, C = logits.shape
    plan = _plan(B, C)
    tgt = targets.astype(jnp.int32)
    cols = jnp.concatenate([tgt, jnp.asarray(plan["lo_col"][B:])])
    rows = jnp.asarray(plan["t_rows"])
    lane_rep = jnp.repeat(cols % 128, 8).reshape(-1, 1)
    sub_rep = jnp.repeat(rows % 8, 8).reshape(-1, 1)
    w_l = jnp.asarray(plan["lo_w"]).reshape(-1, 1)

    scvals = _sc_noise(
        plan, logits,
        jnp.asarray(plan["nrows"]),
        jnp.asarray(plan["sel_row"]),
        jnp.asarray(plan["sel_lane"]),
    )
    partials = jnp.zeros((1, 2), jnp.float32)
    loss = _tc_combine(
        scvals.reshape(-1, 128),
        jnp.asarray(plan["wn"]).reshape(-1, 128),
        partials, B,
    )
    return loss[0, 0]

# --- scband reference (transcript-rebuilt; emitter-appended) ---
"""Pipeline reference for scband-noise-contrastive-estimation-41669772706422 (READ-ONLY COPY).

The authoritative reference and input builder live on the scoring server;
editing this copy changes nothing except your own understanding.
"""

import jax, jax.numpy as jnp
import numpy as np

NUM_CLASSES = 100000
NUM_NOISE_SAMPLES = 64
BATCH = 1024


def setup_inputs(seed: int = 0) -> dict:
    key = jax.random.key(seed)
    k1, k2 = jax.random.split(key)
    logits = jax.random.normal(k1, (BATCH, NUM_CLASSES), dtype=jnp.float32)
    targets = jax.random.randint(k2, (BATCH,), 0, NUM_CLASSES, dtype=jnp.int64 if jax.config.jax_enable_x64 else jnp.int32)
    return {"logits": logits, "targets": targets}


def reference(logits, targets):
    batch_size = targets.shape[0]
    num_classes = logits.shape[1]
    # noise_dist is uniform (ones / num_classes); multinomial with replacement
    # over a uniform distribution == uniform integer sampling.
    noise_key = jax.random.key(1)
    noise_samples = jax.random.randint(
        noise_key, (batch_size, NUM_NOISE_SAMPLES), 0, num_classes)
    # target_logits = logits.gather(1, targets.unsqueeze(1)).squeeze(1)
    target_logits = jnp.take_along_axis(logits, targets[:, None].astype(jnp.int32), axis=1)[:, 0]
    # noise_logits = logits.gather(1, noise_samples)
    noise_logits = jnp.take_along_axis(logits, noise_samples, axis=1)
    target_prob = jax.nn.sigmoid(target_logits)
    noise_prob = jax.nn.sigmoid(noise_logits)
    loss = -(jnp.log(target_prob + 1e-08).mean() + jnp.log(1.0 - noise_prob + 1e-08).mean())
    return loss

if __name__ == "__main__":
    import jax
    _d = setup_inputs()
    print(jax.jit(kernel)(*tuple(_d.values())))

</pallas_src>

<mosaic_0001>
#map = affine_map<(d0, d1) -> (0, 0)>
#map1 = affine_map<(d0, d1) -> (0)>
module attributes {stable_mosaic.version = 14 : i64} {
  func.func @k(%arg0: i32, %arg1: i32, %arg2: memref<1024x100000xf32, #tpu.memory_space<hbm>>, %arg3: memref<93184xi32, #tpu.memory_space<hbm>>, %arg4: memref<106496xi32, #tpu.memory_space<hbm>>, %arg5: memref<106496xi32, #tpu.memory_space<hbm>>, %arg6: memref<106496xf32, #tpu.memory_space<hbm>>, %arg7: memref<2912xi32, #tpu.memory_space<vmem>>, %arg8: memref<3328xi32, #tpu.memory_space<vmem>>, %arg9: memref<3328xi32, #tpu.memory_space<vmem>>, %arg10: memref<112x128xf32, #tpu.memory_space<vmem>>, %arg11: memref<112x128xf32, #tpu.memory_space<vmem>>, %arg12: memref<3328xf32, #tpu.memory_space<vmem>>, %arg13: memref<!tpu.dma_semaphore, #tpu.memory_space<semaphore_mem>>, %arg14: memref<!tpu.dma_semaphore, #tpu.memory_space<semaphore_mem>>) attributes {dimension_semantics = [#tpu.dimension_semantics<core_parallel>, #tpu.dimension_semantics<subcore_parallel>], iteration_bounds = array<i64: 2, 16>, scalar_prefetch = 0 : i64, scratch_operands = 8 : i64, tpu.core_type = #tpu.core_type<sc_vector_subcore>, window_params = [{transform_indices = #map}, {transform_indices = #map1}, {transform_indices = #map1}, {transform_indices = #map1}, {transform_indices = #map1}]} {
    %mul3A = arith.constant 2 : i32
    %mul3A_0 = arith.muli %arg1, %mul3A : i32
    %add3A = arith.addi %mul3A_0, %arg0 : i32
    %mul3A_1 = arith.constant 26 : i32
    %mul3A_2 = arith.muli %add3A, %mul3A_1 : i32
    %mul3A_3 = arith.constant 112 : i32
    %mul3A_4 = arith.muli %mul3A_2, %mul3A_3 : i32
    "tpu.region"() ({
      %run_scoped3A = tpu.sem_alloc : memref<!tpu.dma_semaphore, #tpu.memory_space<semaphore_mem>>
      %dma_start3A_82 = tpu.memref_slice %arg3[%mul3A_4] : memref<93184xi32, #tpu.memory_space<hbm>> -> memref<2912xi32, #tpu.memory_space<hbm>>
      %dma_start3A_83 = tpu.memref_slice %arg3[%mul3A_4] : memref<93184xi32, #tpu.memory_space<hbm>> -> memref<2912xi32, #tpu.memory_space<hbm>>
      tpu.enqueue_dma source(%dma_start3A_83 : memref<2912xi32, #tpu.memory_space<hbm>>) target(%arg7 : memref<2912xi32, #tpu.memory_space<vmem>>) target_semaphore(%run_scoped3A : memref<!tpu.dma_semaphore, #tpu.memory_space<semaphore_mem>>)
      %dma_wait3A_84 = tpu.memref_slice %arg3[%mul3A_4] : memref<93184xi32, #tpu.memory_space<hbm>> -> memref<2912xi32, #tpu.memory_space<hbm>>
      %dma_wait3A_85 = tpu.memref_slice %arg3[%mul3A_4] : memref<93184xi32, #tpu.memory_space<hbm>> -> memref<2912xi32, #tpu.memory_space<hbm>>
      tpu.wait_dma2 semaphore(%run_scoped3A : memref<!tpu.dma_semaphore, #tpu.memory_space<semaphore_mem>>) src(%dma_wait3A_85 : memref<2912xi32, #tpu.memory_space<hbm>>) dst(%arg7 : memref<2912xi32, #tpu.memory_space<vmem>>)
      tpu.yield
    }) : () -> ()
    %mul3A_5 = arith.constant 26 : i32
    %mul3A_6 = arith.muli %add3A, %mul3A_5 : i32
    %mul3A_7 = arith.constant 128 : i32
    %mul3A_8 = arith.muli %mul3A_6, %mul3A_7 : i32
    "tpu.region"() ({
      %run_scoped3A = tpu.sem_alloc : memref<!tpu.dma_semaphore, #tpu.memory_space<semaphore_mem>>
      %dma_start3A_82 = tpu.memref_slice %arg4[%mul3A_8] : memref<106496xi32, #tpu.memory_space<hbm>> -> memref<3328xi32, #tpu.memory_space<hbm>>
      %dma_start3A_83 = tpu.memref_slice %arg4[%mul3A_8] : memref<106496xi32, #tpu.memory_space<hbm>> -> memref<3328xi32, #tpu.memory_space<hbm>>
      tpu.enqueue_dma source(%dma_start3A_83 : memref<3328xi32, #tpu.memory_space<hbm>>) target(%arg8 : memref<3328xi32, #tpu.memory_space<vmem>>) target_semaphore(%run_scoped3A : memref<!tpu.dma_semaphore, #tpu.memory_space<semaphore_mem>>)
      %dma_wait3A_84 = tpu.memref_slice %arg4[%mul3A_8] : memref<106496xi32, #tpu.memory_space<hbm>> -> memref<3328xi32, #tpu.memory_space<hbm>>
      %dma_wait3A_85 = tpu.memref_slice %arg4[%mul3A_8] : memref<106496xi32, #tpu.memory_space<hbm>> -> memref<3328xi32, #tpu.memory_space<hbm>>
      tpu.wait_dma2 semaphore(%run_scoped3A : memref<!tpu.dma_semaphore, #tpu.memory_space<semaphore_mem>>) src(%dma_wait3A_85 : memref<3328xi32, #tpu.memory_space<hbm>>) dst(%arg8 : memref<3328xi32, #tpu.memory_space<vmem>>)
      tpu.yield
    }) : () -> ()
    %mul3A_9 = arith.constant 26 : i32
    %mul3A_10 = arith.muli %add3A, %mul3A_9 : i32
    %mul3A_11 = arith.constant 128 : i32
    %mul3A_12 = arith.muli %mul3A_10, %mul3A_11 : i32
    "tpu.region"() ({
      %run_scoped3A = tpu.sem_alloc : memref<!tpu.dma_semaphore, #tpu.memory_space<semaphore_mem>>
      %dma_start3A_82 = tpu.memref_slice %arg5[%mul3A_12] : memref<106496xi32, #tpu.memory_space<hbm>> -> memref<3328xi32, #tpu.memory_space<hbm>>
      %dma_start3A_83 = tpu.memref_slice %arg5[%mul3A_12] : memref<106496xi32, #tpu.memory_space<hbm>> -> memref<3328xi32, #tpu.memory_space<hbm>>
      tpu.enqueue_dma source(%dma_start3A_83 : memref<3328xi32, #tpu.memory_space<hbm>>) target(%arg9 : memref<3328xi32, #tpu.memory_space<vmem>>) target_semaphore(%run_scoped3A : memref<!tpu.dma_semaphore, #tpu.memory_space<semaphore_mem>>)
      %dma_wait3A_84 = tpu.memref_slice %arg5[%mul3A_12] : memref<106496xi32, #tpu.memory_space<hbm>> -> memref<3328xi32, #tpu.memory_space<hbm>>
      %dma_wait3A_85 = tpu.memref_slice %arg5[%mul3A_12] : memref<106496xi32, #tpu.memory_space<hbm>> -> memref<3328xi32, #tpu.memory_space<hbm>>
      tpu.wait_dma2 semaphore(%run_scoped3A : memref<!tpu.dma_semaphore, #tpu.memory_space<semaphore_mem>>) src(%dma_wait3A_85 : memref<3328xi32, #tpu.memory_space<hbm>>) dst(%arg9 : memref<3328xi32, #tpu.memory_space<vmem>>)
      tpu.yield
    }) : () -> ()
    %mul3A_13 = arith.constant 26 : i32
    %mul3A_14 = arith.muli %add3A, %mul3A_13 : i32
    %add3A_15 = arith.constant 0 : i32
    %add3A_16 = arith.addi %mul3A_14, %add3A_15 : i32
    %min3A = arith.constant 780 : i32
    %min3A_17 = arith.minsi %add3A_16, %min3A : i32
    %mul3A_18 = arith.constant 128 : i32
    %mul3A_19 = arith.muli %min3A_17, %mul3A_18 : i32
    %multiple_of3A = tpu.assume_multiple %mul3A_19, 128 : i32
    %dma_start3A = arith.constant 0 : i32
    %dma_start3A_20 = tpu.memref_slice %arg7[%dma_start3A] : memref<2912xi32, #tpu.memory_space<vmem>> -> memref<112xi32, #tpu.memory_space<vmem>>
    %dma_start3A_21 = arith.constant 0 : i32
    %dma_start3A_22 = tpu.memref_slice %arg2[%dma_start3A_21, %multiple_of3A] : memref<1024x100000xf32, #tpu.memory_space<hbm>> -> memref<1024x128xf32, #tpu.memory_space<hbm>>
    tpu.enqueue_indirect_dma source(%dma_start3A_22 : memref<1024x128xf32, #tpu.memory_space<hbm>>) target(%arg10 : memref<112x128xf32, #tpu.memory_space<vmem>>) offsets(%dma_start3A_20 : memref<112xi32, #tpu.memory_space<vmem>>) semaphore(%arg13 : memref<!tpu.dma_semaphore, #tpu.memory_space<semaphore_mem>>)
    %mul3A_23 = arith.constant 26 : i32
    %mul3A_24 = arith.muli %add3A, %mul3A_23 : i32
    %add3A_25 = arith.constant 1 : i32
    %add3A_26 = arith.addi %mul3A_24, %add3A_25 : i32
    %min3A_27 = arith.constant 780 : i32
    %min3A_28 = arith.minsi %add3A_26, %min3A_27 : i32
    %mul3A_29 = arith.constant 128 : i32
    %mul3A_30 = arith.muli %min3A_28, %mul3A_29 : i32
    %multiple_of3A_31 = tpu.assume_multiple %mul3A_30, 128 : i32
    %dma_start3A_32 = arith.constant 112 : i32
    %dma_start3A_33 = tpu.memref_slice %arg7[%dma_start3A_32] : memref<2912xi32, #tpu.memory_space<vmem>> -> memref<112xi32, #tpu.memory_space<vmem>>
    %dma_start3A_34 = arith.constant 0 : i32
    %dma_start3A_35 = tpu.memref_slice %arg2[%dma_start3A_34, %multiple_of3A_31] : memref<1024x100000xf32, #tpu.memory_space<hbm>> -> memref<1024x128xf32, #tpu.memory_space<hbm>>
    tpu.enqueue_indirect_dma source(%dma_start3A_35 : memref<1024x128xf32, #tpu.memory_space<hbm>>) target(%arg11 : memref<112x128xf32, #tpu.memory_space<vmem>>) offsets(%dma_start3A_33 : memref<112xi32, #tpu.memory_space<vmem>>) semaphore(%arg14 : memref<!tpu.dma_semaphore, #tpu.memory_space<semaphore_mem>>)
    %scan3A = arith.constant 0 : i32
    %scan3A_36 = arith.constant 0 : i32
    %scan3A_37 = arith.constant 12 : i32
    %scan3A_38 = arith.addi %scan3A_36, %scan3A_37 : i32
    %scan3A_39 = arith.constant 1 : i32
    scf.for %scan3A_82 = %scan3A_36 to %scan3A_38 step %scan3A_39  : i32 {
      %mul3A_83 = arith.constant 2 : i32
      %mul3A_84 = arith.muli %scan3A_82, %mul3A_83 : i32
      %mul3A_85 = arith.constant 26 : i32
      %mul3A_86 = arith.muli %add3A, %mul3A_85 : i32
      %add3A_87 = arith.addi %mul3A_86, %mul3A_84 : i32
      %min3A_88 = arith.constant 780 : i32
      %min3A_89 = arith.minsi %add3A_87, %min3A_88 : i32
      %mul3A_90 = arith.constant 128 : i32
      %mul3A_91 = arith.muli %min3A_89, %mul3A_90 : i32
      %multiple_of3A_92 = tpu.assume_multiple %mul3A_91, 128 : i32
      %mul3A_93 = arith.constant 112 : i32
      %mul3A_94 = arith.muli %mul3A_84, %mul3A_93 : i32
      %dma_wait3A_95 = tpu.memref_slice %arg7[%mul3A_94] : memref<2912xi32, #tpu.memory_space<vmem>> -> memref<112xi32, #tpu.memory_space<vmem>>
      %dma_wait3A_96 = arith.constant 0 : i32
      %dma_wait3A_97 = tpu.memref_slice %arg2[%dma_wait3A_96, %multiple_of3A_92] : memref<1024x100000xf32, #tpu.memory_space<hbm>> -> memref<1024x128xf32, #tpu.memory_space<hbm>>
      tpu.wait_indirect_dma semaphore(%arg13 : memref<!tpu.dma_semaphore, #tpu.memory_space<semaphore_mem>>) src(%dma_wait3A_97 : memref<1024x128xf32, #tpu.memory_space<hbm>>) dst(%arg10 : memref<112x128xf32, #tpu.memory_space<vmem>>)
      %scan3A_98 = arith.constant 0 : i32
      %scan3A_99 = arith.constant 0 : i32
      %scan3A_100 = arith.constant 8 : i32
      %scan3A_101 = arith.addi %scan3A_99, %scan3A_100 : i32
      %scan3A_102 = arith.constant 1 : i32
      scf.for %scan3A_157 = %scan3A_99 to %scan3A_101 step %scan3A_102  : i32 {
        %mul3A_158 = arith.constant 128 : i32
        %mul3A_159 = arith.muli %mul3A_84, %mul3A_158 : i32
        %mul3A_160 = arith.constant 16 : i32
        %mul3A_161 = arith.muli %scan3A_157, %mul3A_160 : i32
        %add3A_162 = arith.addi %mul3A_159, %mul3A_161 : i32
        %get3A = arith.index_cast %add3A_162 : i32 to index
        %get3A_163 = tpu.vector_load %arg8[%get3A] {strides = array<i32>} : memref<3328xi32, #tpu.memory_space<vmem>>, vector<16xi32>,
        %get3A_164 = arith.index_cast %add3A_162 : i32 to index
        %get3A_165 = tpu.vector_load %arg9[%get3A_164] {strides = array<i32>} : memref<3328xi32, #tpu.memory_space<vmem>>, vector<16xi32>,
        %gather3A = tpu.vector_load_idx %arg10[%get3A_163, %get3A_165] : memref<112x128xf32, #tpu.memory_space<vmem>>[vector<16xi32>, vector<16xi32>], vector<16xf32>,
        %swap3A = arith.index_cast %add3A_162 : i32 to index
        %swap3A_166 = tpu.vector_load %arg12[%swap3A] {strides = array<i32>} : memref<3328xf32, #tpu.memory_space<vmem>>, vector<16xf32>,
        tpu.vector_store %arg12[%swap3A], %gather3A {strides = array<i32>} : memref<3328xf32, #tpu.memory_space<vmem>>, vector<16xf32>,
      }
      %scan3A_103 = arith.constant 8 : i32
      %add3A_104 = arith.constant 2 : i32
      %add3A_105 = arith.addi %mul3A_84, %add3A_104 : i32
      %mul3A_106 = arith.constant 26 : i32
      %mul3A_107 = arith.muli %add3A, %mul3A_106 : i32
      %add3A_108 = arith.addi %mul3A_107, %add3A_105 : i32
      %min3A_109 = arith.constant 780 : i32
      %min3A_110 = arith.minsi %add3A_108, %min3A_109 : i32
      %mul3A_111 = arith.constant 128 : i32
      %mul3A_112 = arith.muli %min3A_110, %mul3A_111 : i32
      %multiple_of3A_113 = tpu.assume_multiple %mul3A_112, 128 : i32
      %mul3A_114 = arith.constant 112 : i32
      %mul3A_115 = arith.muli %add3A_105, %mul3A_114 : i32
      %dma_start3A_116 = tpu.memref_slice %arg7[%mul3A_115] : memref<2912xi32, #tpu.memory_space<vmem>> -> memref<112xi32, #tpu.memory_space<vmem>>
      %dma_start3A_117 = arith.constant 0 : i32
      %dma_start3A_118 = tpu.memref_slice %arg2[%dma_start3A_117, %multiple_of3A_113] : memref<1024x100000xf32, #tpu.memory_space<hbm>> -> memref<1024x128xf32, #tpu.memory_space<hbm>>
      tpu.enqueue_indirect_dma source(%dma_start3A_118 : memref<1024x128xf32, #tpu.memory_space<hbm>>) target(%arg10 : memref<112x128xf32, #tpu.memory_space<vmem>>) offsets(%dma_start3A_116 : memref<112xi32, #tpu.memory_space<vmem>>) semaphore(%arg13 : memref<!tpu.dma_semaphore, #tpu.memory_space<semaphore_mem>>)
      %add3A_119 = arith.constant 1 : i32
      %add3A_120 = arith.addi %mul3A_84, %add3A_119 : i32
      %mul3A_121 = arith.constant 26 : i32
      %mul3A_122 = arith.muli %add3A, %mul3A_121 : i32
      %add3A_123 = arith.addi %mul3A_122, %add3A_120 : i32
      %min3A_124 = arith.constant 780 : i32
      %min3A_125 = arith.minsi %add3A_123, %min3A_124 : i32
      %mul3A_126 = arith.constant 128 : i32
      %mul3A_127 = arith.muli %min3A_125, %mul3A_126 : i32
      %multiple_of3A_128 = tpu.assume_multiple %mul3A_127, 128 : i32
      %mul3A_129 = arith.constant 112 : i32
      %mul3A_130 = arith.muli %add3A_120, %mul3A_129 : i32
      %dma_wait3A_131 = tpu.memref_slice %arg7[%mul3A_130] : memref<2912xi32, #tpu.memory_space<vmem>> -> memref<112xi32, #tpu.memory_space<vmem>>
      %dma_wait3A_132 = arith.constant 0 : i32
      %dma_wait3A_133 = tpu.memref_slice %arg2[%dma_wait3A_132, %multiple_of3A_128] : memref<1024x100000xf32, #tpu.memory_space<hbm>> -> memref<1024x128xf32, #tpu.memory_space<hbm>>
      tpu.wait_indirect_dma semaphore(%arg14 : memref<!tpu.dma_semaphore, #tpu.memory_space<semaphore_mem>>) src(%dma_wait3A_133 : memref<1024x128xf32, #tpu.memory_space<hbm>>) dst(%arg11 : memref<112x128xf32, #tpu.memory_space<vmem>>)
      %add3A_134 = arith.constant 1 : i32
      %add3A_135 = arith.addi %mul3A_84, %add3A_134 : i32
      %scan3A_136 = arith.constant 0 : i32
      %scan3A_137 = arith.constant 0 : i32
      %scan3A_138 = arith.constant 8 : i32
      %scan3A_139 = arith.addi %scan3A_137, %scan3A_138 : i32
      %scan3A_140 = arith.constant 1 : i32
      scf.for %scan3A_157 = %scan3A_137 to %scan3A_139 step %scan3A_140  : i32 {
        %mul3A_158 = arith.constant 128 : i32
        %mul3A_159 = arith.muli %add3A_135, %mul3A_158 : i32
        %mul3A_160 = arith.constant 16 : i32
        %mul3A_161 = arith.muli %scan3A_157, %mul3A_160 : i32
        %add3A_162 = arith.addi %mul3A_159, %mul3A_161 : i32
        %get3A = arith.index_cast %add3A_162 : i32 to index
        %get3A_163 = tpu.vector_load %arg8[%get3A] {strides = array<i32>} : memref<3328xi32, #tpu.memory_space<vmem>>, vector<16xi32>,
        %get3A_164 = arith.index_cast %add3A_162 : i32 to index
        %get3A_165 = tpu.vector_load %arg9[%get3A_164] {strides = array<i32>} : memref<3328xi32, #tpu.memory_space<vmem>>, vector<16xi32>,
        %gather3A = tpu.vector_load_idx %arg11[%get3A_163, %get3A_165] : memref<112x128xf32, #tpu.memory_space<vmem>>[vector<16xi32>, vector<16xi32>], vector<16xf32>,
        %swap3A = arith.index_cast %add3A_162 : i32 to index
        %swap3A_166 = tpu.vector_load %arg12[%swap3A] {strides = array<i32>} : memref<3328xf32, #tpu.memory_space<vmem>>, vector<16xf32>,
        tpu.vector_store %arg12[%swap3A], %gather3A {strides = array<i32>} : memref<3328xf32, #tpu.memory_space<vmem>>, vector<16xf32>,
      }
      %scan3A_141 = arith.constant 8 : i32
      %add3A_142 = arith.constant 3 : i32
      %add3A_143 = arith.addi %mul3A_84, %add3A_142 : i32
      %mul3A_144 = arith.constant 26 : i32
      %mul3A_145 = arith.muli %add3A, %mul3A_144 : i32
      %add3A_146 = arith.addi %mul3A_145, %add3A_143 : i32
      %min3A_147 = arith.constant 780 : i32
      %min3A_148 = arith.minsi %add3A_146, %min3A_147 : i32
      %mul3A_149 = arith.constant 128 : i32
      %mul3A_150 = arith.muli %min3A_148, %mul3A_149 : i32
      %multiple_of3A_151 = tpu.assume_multiple %mul3A_150, 128 : i32
      %mul3A_152 = arith.constant 112 : i32
      %mul3A_153 = arith.muli %add3A_143, %mul3A_152 : i32
      %dma_start3A_154 = tpu.memref_slice %arg7[%mul3A_153] : memref<2912xi32, #tpu.memory_space<vmem>> -> memref<112xi32, #tpu.memory_space<vmem>>
      %dma_start3A_155 = arith.constant 0 : i32
      %dma_start3A_156 = tpu.memref_slice %arg2[%dma_start3A_155, %multiple_of3A_151] : memref<1024x100000xf32, #tpu.memory_space<hbm>> -> memref<1024x128xf32, #tpu.memory_space<hbm>>
      tpu.enqueue_indirect_dma source(%dma_start3A_156 : memref<1024x128xf32, #tpu.memory_space<hbm>>) target(%arg11 : memref<112x128xf32, #tpu.memory_space<vmem>>) offsets(%dma_start3A_154 : memref<112xi32, #tpu.memory_space<vmem>>) semaphore(%arg14 : memref<!tpu.dma_semaphore, #tpu.memory_space<semaphore_mem>>)
    }
    %scan3A_40 = arith.constant 12 : i32
    %mul3A_41 = arith.constant 26 : i32
    %mul3A_42 = arith.muli %add3A, %mul3A_41 : i32
    %add3A_43 = arith.constant 24 : i32
    %add3A_44 = arith.addi %mul3A_42, %add3A_43 : i32
    %min3A_45 = arith.constant 780 : i32
    %min3A_46 = arith.minsi %add3A_44, %min3A_45 : i32
    %mul3A_47 = arith.constant 128 : i32
    %mul3A_48 = arith.muli %min3A_46, %mul3A_47 : i32
    %multiple_of3A_49 = tpu.assume_multiple %mul3A_48, 128 : i32
    %dma_wait3A = arith.constant 2688 : i32
    %dma_wait3A_50 = tpu.memref_slice %arg7[%dma_wait3A] : memref<2912xi32, #tpu.memory_space<vmem>> -> memref<112xi32, #tpu.memory_space<vmem>>
    %dma_wait3A_51 = arith.constant 0 : i32
    %dma_wait3A_52 = tpu.memref_slice %arg2[%dma_wait3A_51, %multiple_of3A_49] : memref<1024x100000xf32, #tpu.memory_space<hbm>> -> memref<1024x128xf32, #tpu.memory_space<hbm>>
    tpu.wait_indirect_dma semaphore(%arg13 : memref<!tpu.dma_semaphore, #tpu.memory_space<semaphore_mem>>) src(%dma_wait3A_52 : memref<1024x128xf32, #tpu.memory_space<hbm>>) dst(%arg10 : memref<112x128xf32, #tpu.memory_space<vmem>>)
    %scan3A_53 = arith.constant 0 : i32
    %scan3A_54 = arith.constant 0 : i32
    %scan3A_55 = arith.constant 8 : i32
    %scan3A_56 = arith.addi %scan3A_54, %scan3A_55 : i32
    %scan3A_57 = arith.constant 1 : i32
    scf.for %scan3A_82 = %scan3A_54 to %scan3A_56 step %scan3A_57  : i32 {
      %mul3A_83 = arith.constant 16 : i32
      %mul3A_84 = arith.muli %scan3A_82, %mul3A_83 : i32
      %add3A_85 = arith.constant 3072 : i32
      %add3A_86 = arith.addi %add3A_85, %mul3A_84 : i32
      %get3A = arith.index_cast %add3A_86 : i32 to index
      %get3A_87 = tpu.vector_load %arg8[%get3A] {strides = array<i32>} : memref<3328xi32, #tpu.memory_space<vmem>>, vector<16xi32>,
      %get3A_88 = arith.index_cast %add3A_86 : i32 to index
      %get3A_89 = tpu.vector_load %arg9[%get3A_88] {strides = array<i32>} : memref<3328xi32, #tpu.memory_space<vmem>>, vector<16xi32>,
      %gather3A = tpu.vector_load_idx %arg10[%get3A_87, %get3A_89] : memref<112x128xf32, #tpu.memory_space<vmem>>[vector<16xi32>, vector<16xi32>], vector<16xf32>,
      %swap3A = arith.index_cast %add3A_86 : i32 to index
      %swap3A_90 = tpu.vector_load %arg12[%swap3A] {strides = array<i32>} : memref<3328xf32, #tpu.memory_space<vmem>>, vector<16xf32>,
      tpu.vector_store %arg12[%swap3A], %gather3A {strides = array<i32>} : memref<3328xf32, #tpu.memory_space<vmem>>, vector<16xf32>,
    }
    %scan3A_58 = arith.constant 8 : i32
    %mul3A_59 = arith.constant 26 : i32
    %mul3A_60 = arith.muli %add3A, %mul3A_59 : i32
    %add3A_61 = arith.constant 25 : i32
    %add3A_62 = arith.addi %mul3A_60, %add3A_61 : i32
    %min3A_63 = arith.constant 780 : i32
    %min3A_64 = arith.minsi %add3A_62, %min3A_63 : i32
    %mul3A_65 = arith.constant 128 : i32
    %mul3A_66 = arith.muli %min3A_64, %mul3A_65 : i32
    %multiple_of3A_67 = tpu.assume_multiple %mul3A_66, 128 : i32
    %dma_wait3A_68 = arith.constant 2800 : i32
    %dma_wait3A_69 = tpu.memref_slice %arg7[%dma_wait3A_68] : memref<2912xi32, #tpu.memory_space<vmem>> -> memref<112xi32, #tpu.memory_space<vmem>>
    %dma_wait3A_70 = arith.constant 0 : i32
    %dma_wait3A_71 = tpu.memref_slice %arg2[%dma_wait3A_70, %multiple_of3A_67] : memref<1024x100000xf32, #tpu.memory_space<hbm>> -> memref<1024x128xf32, #tpu.memory_space<hbm>>
    tpu.wait_indirect_dma semaphore(%arg14 : memref<!tpu.dma_semaphore, #tpu.memory_space<semaphore_mem>>) src(%dma_wait3A_71 : memref<1024x128xf32, #tpu.memory_space<hbm>>) dst(%arg11 : memref<112x128xf32, #tpu.memory_space<vmem>>)
    %scan3A_72 = arith.constant 0 : i32
    %scan3A_73 = arith.constant 0 : i32
    %scan3A_74 = arith.constant 8 : i32
    %scan3A_75 = arith.addi %scan3A_73, %scan3A_74 : i32
    %scan3A_76 = arith.constant 1 : i32
    scf.for %scan3A_82 = %scan3A_73 to %scan3A_75 step %scan3A_76  : i32 {
      %mul3A_83 = arith.constant 16 : i32
      %mul3A_84 = arith.muli %scan3A_82, %mul3A_83 : i32
      %add3A_85 = arith.constant 3200 : i32
      %add3A_86 = arith.addi %add3A_85, %mul3A_84 : i32
      %get3A = arith.index_cast %add3A_86 : i32 to index
      %get3A_87 = tpu.vector_load %arg8[%get3A] {strides = array<i32>} : memref<3328xi32, #tpu.memory_space<vmem>>, vector<16xi32>,
      %get3A_88 = arith.index_cast %add3A_86 : i32 to index
      %get3A_89 = tpu.vector_load %arg9[%get3A_88] {strides = array<i32>} : memref<3328xi32, #tpu.memory_space<vmem>>, vector<16xi32>,
      %gather3A = tpu.vector_load_idx %arg11[%get3A_87, %get3A_89] : memref<112x128xf32, #tpu.memory_space<vmem>>[vector<16xi32>, vector<16xi32>], vector<16xf32>,
      %swap3A = arith.index_cast %add3A_86 : i32 to index
      %swap3A_90 = tpu.vector_load %arg12[%swap3A] {strides = array<i32>} : memref<3328xf32, #tpu.memory_space<vmem>>, vector<16xf32>,
      tpu.vector_store %arg12[%swap3A], %gather3A {strides = array<i32>} : memref<3328xf32, #tpu.memory_space<vmem>>, vector<16xf32>,
    }
    %scan3A_77 = arith.constant 8 : i32
    %mul3A_78 = arith.constant 26 : i32
    %mul3A_79 = arith.muli %add3A, %mul3A_78 : i32
    %mul3A_80 = arith.constant 128 : i32
    %mul3A_81 = arith.muli %mul3A_79, %mul3A_80 : i32
    "tpu.region"() ({
      %run_scoped3A = tpu.sem_alloc : memref<!tpu.dma_semaphore, #tpu.memory_space<semaphore_mem>>
      %dma_start3A_82 = tpu.memref_slice %arg6[%mul3A_81] : memref<106496xf32, #tpu.memory_space<hbm>> -> memref<3328xf32, #tpu.memory_space<hbm>>
      %dma_start3A_83 = tpu.memref_slice %arg6[%mul3A_81] : memref<106496xf32, #tpu.memory_space<hbm>> -> memref<3328xf32, #tpu.memory_space<hbm>>
      tpu.enqueue_dma source(%arg12 : memref<3328xf32, #tpu.memory_space<vmem>>) target(%dma_start3A_83 : memref<3328xf32, #tpu.memory_space<hbm>>) target_semaphore(%run_scoped3A : memref<!tpu.dma_semaphore, #tpu.memory_space<semaphore_mem>>)
      %dma_wait3A_84 = tpu.memref_slice %arg6[%mul3A_81] : memref<106496xf32, #tpu.memory_space<hbm>> -> memref<3328xf32, #tpu.memory_space<hbm>>
      %dma_wait3A_85 = tpu.memref_slice %arg6[%mul3A_81] : memref<106496xf32, #tpu.memory_space<hbm>> -> memref<3328xf32, #tpu.memory_space<hbm>>
      tpu.wait_dma2 semaphore(%run_scoped3A : memref<!tpu.dma_semaphore, #tpu.memory_space<semaphore_mem>>) src(%arg12 : memref<3328xf32, #tpu.memory_space<vmem>>) dst(%dma_wait3A_85 : memref<3328xf32, #tpu.memory_space<hbm>>)
      tpu.yield
    }) : () -> ()
    return
  }
}

module attributes {stable_mosaic.version = 14 : i64} {
  func.func @body(%arg0: memref<832x128xf32, #tpu.memory_space<vmem>>, %arg1: memref<832x128xf32, #tpu.memory_space<vmem>>, %arg2: memref<1x2xf32, #tpu.memory_space<smem>>, %arg3: memref<1x1xf32, #tpu.memory_space<smem>>) attributes {dimension_semantics = [], scalar_prefetch = 0 : i64, scratch_operands = 0 : i64, tpu.core_type = #tpu.core_type<tc>} {
    %get3A = arith.constant 0 : index
    %get3A_0 = arith.constant 0 : index
    %get3A_1 = vector.load %arg0[%get3A, %get3A_0] : memref<832x128xf32, #tpu.memory_space<vmem>>, vector<832x128xf32>
    %get3A_2 = arith.constant 0 : index
    %get3A_3 = arith.constant 0 : index
    %get3A_4 = vector.load %arg1[%get3A_2, %get3A_3] : memref<832x128xf32, #tpu.memory_space<vmem>>, vector<832x128xf32>
    %logistic3A = arith.negf %get3A_1 : vector<832x128xf32>
    %logistic3A_5 = math.exp %logistic3A : vector<832x128xf32>
    %logistic3A_6 = arith.constant 1.000000e+00 : f32
    %logistic3A_7 = vector.broadcast %logistic3A_6 : f32 to vector<832x128xf32>
    %logistic3A_8 = arith.addf %logistic3A_7, %logistic3A_5 : vector<832x128xf32>
    %logistic3A_9 = arith.divf %logistic3A_7, %logistic3A_8 : vector<832x128xf32>
    %sub3A = arith.constant 1.000000e+00 : f32
    %sub3A_10 = vector.broadcast %sub3A : f32 to vector<832x128xf32>
    %sub3A_11 = arith.subf %sub3A_10, %logistic3A_9 : vector<832x128xf32>
    %add3A = arith.constant 9.99999993E-9 : f32
    %add3A_12 = vector.broadcast %add3A : f32 to vector<832x128xf32>
    %add3A_13 = arith.addf %sub3A_11, %add3A_12 : vector<832x128xf32>
    %log3A = math.log %add3A_13 : vector<832x128xf32>
    %mul3A = arith.mulf %get3A_4, %log3A : vector<832x128xf32>
    %reduce_sum3A = vector.shape_cast %mul3A : vector<832x128xf32> to vector<1x832x128xf32>
    %reduce_sum3A_14 = arith.constant dense<0.000000e+00> : vector<1xf32>
    %reduce_sum3A_15 = vector.multi_reduction <add>, %reduce_sum3A, %reduce_sum3A_14 [1, 2] : vector<1x832x128xf32> to vector<1xf32>
    %reduce_sum3A_16 = vector.shape_cast %reduce_sum3A_15 : vector<1xf32> to vector<1x1x1xf32>
    %reduce_sum3A_17 = vector.extract %reduce_sum3A_16[0, 0, 0] : f32 from vector<1x1x1xf32>
    %get3A_18 = arith.constant 0 : index
    %get3A_19 = arith.constant 0 : index
    %get3A_20 = memref.load %arg2[%get3A_18, %get3A_19] : memref<1x2xf32, #tpu.memory_space<smem>>
    %div3A = arith.constant 1.024000e+03 : f32
    %div3A_21 = arith.divf %get3A_20, %div3A : f32
    %get3A_22 = arith.constant 0 : index
    %get3A_23 = arith.constant 1 : index
    %get3A_24 = memref.load %arg2[%get3A_22, %get3A_23] : memref<1x2xf32, #tpu.memory_space<smem>>
    %add3A_25 = arith.addf %reduce_sum3A_17, %get3A_24 : f32
    %div3A_26 = arith.constant 6.553600e+04 : f32
    %div3A_27 = arith.divf %add3A_25, %div3A_26 : f32
    %add3A_28 = arith.addf %div3A_21, %div3A_27 : f32
    %neg3A = arith.constant 0.000000e+00 : f32
    %neg3A_29 = arith.subf %neg3A, %add3A_28 : f32
    %swap3A = arith.constant 0 : index
    %swap3A_30 = arith.constant 0 : index
    %swap3A_31 = memref.load %arg3[%swap3A, %swap3A_30] : memref<1x1xf32, #tpu.memory_space<smem>>
    memref.store %neg3A_29, %arg3[%swap3A, %swap3A_30] : memref<1x1xf32, #tpu.memory_space<smem>>
    return
  }
}

</mosaic_0001>

<sc_bundles>
// kernel: kernel.4.cloned.1.call-start
scs
__scs_entry_jumppad:
0x0: {  	(pc) =	sbr.rel $0x88, $3  }
0x1: {  	(tag) =	ssettag $0x0;
	lr =	simm.s32 $0x1  }
0x2: {  	[smem:$0x3FA0] =	sst lr;
	_ =	strace $0xD0000000  }
0x3: {  	_ = 	snop  }
0x4: {  	_ = 	snop  }
0x5: {  	_ = 	snop  }
0x6: {  	_ = 	snop  }
0x7: {  	_ = 	snop  }
__scs_overlays_trampoline_lowered:
0x8: {  	[smem:$0x3FAF] =	sst s0  }
0x9: {  	[smem:$0x3FB0] =	sst s1  }
0xa: {  	[smem:$0x3FB1] =	sst s2  }
0xb: {  	[smem:$0x3FB2] =	sst s3  }
0xc: {  	[smem:$0x3FB3] =	sst s4  }
0xd: {  	[smem:$0x3FB4] =	sst s5  }
0xe: {  	[smem:$0x3FB5] =	sst s6  }
0xf: {  	[smem:$0x3FB6] =	sst s7  }
0x10: {  	[smem:$0x3FB7] =	sst s8  }
0x11: {  	[smem:$0x3FB8] =	sst s9;
	s0 =	simm.s32 @!p0 $0x0  }
0x12: {  	s1 =	sld [smem:$0x3F9E];
	s0 =	simm.s32 @p0 $0x1  }
0x13: {  	[smem:$0x3FB9] =	sst s0;
	s0 =	simm.s32 @!p1 $0x0  }
0x14: {  	s2 =	sld [smem:$0x3F9D];
	s0 =	simm.s32 @p1 $0x1  }
0x15: {  	[smem:$0x3FBA] =	sst s0;
	s0 =	simm.s32 @!p2 $0x0  }
0x16: {  	s3 =	sld [smem:$0x3FDB];
	s0 =	simm.s32 @p2 $0x1  }
0x17: {  	s4 =	simm.s32 $0x1BF5;
	[smem:$0x3FBC] =	sst s0  }
0x18: {  	s0 =	sld [smem:$0x3F9F];
	_ =	swait.ge [sflag:s4], $0x0  }
0x19: {  	s7 =	sld [smem:$0x3FA0]  }
0x1a: {  	s8 =	sadd.s32 $0xFFFFE003, lr  }
0x1b: {  	s9 =	sadd.s32 $0xFFFFFEF7, lr;
	s5 =	simm.s32 $0xFFFFFFFF;
	p2 =	slt.u32 s8, $0xFFFFF086  }
0x1c: {  	p1 =	slt.u32 s9, $0xF7A;
	s5 =	simm.s32 @!p2 $0x0  }
0x1d: {  	s5 =	simm.s32 @p1 $0x1;
	p0 =	seq.s32 s7, s2  }
0x1e: {  	s7 =	smul.u32 @!p0 $0xF7A, s2;
	p2 =	seq.s32 @!p0 s5, $0x0  }
0x1f: {  	s9 =	smul.u32 $0xF7A, s1;
	s8 =	simm.s32 @!p0 $0x1BF5;
	p2 =	por !p2, p0  }
0x20: {  	[sflag:s8] =	ssyncset.s32 @!p0 $0xFFFFF086;
	s6 =	sadd.s32 @!p0 s3, s7;
	s7 =	simm.s32 @!p0 $0x108  }
0x21: {  	s3 =	sadd.s32 s3, s9;
	s6 =	sadd.s32 @!p0 $0x88, s6;
	s7 =	simm.s32 @p2 $0x1082  }
0x22: {  	[simem:s7], [sflag:s8] =	dma.local @!p0 [hbm:s6], $0xF7A  }
0x23: {  	s9 =	sor.u32 $0xD0000000, s2;
	s6 =	simm.s32 $0x108;
	_ =	swait.ge @!p0 [sflag:s8], $0x0  }
0x24: {  	s3 =	sadd.s32 $0x88, s3;
	s6 =	simm.s32 @!p1 $0x1082;
	[sflag:s4] =	ssyncset.s32 $0xFFFFF086  }
0x25: {  	[simem:s6], [sflag:s4] =	dma.local [hbm:s3], $0xF7A  }
0x26: {  	[smem:$0x3FA0] =	sst s1;
	(tag) =	ssettag s2;
	_ =	strace s9  }
0x27: {  	s1 =	sld [smem:$0x3FB0]  }
0x28: {  	s2 =	sld [smem:$0x3FB1]  }
0x29: {  	s4 =	sld [smem:$0x3FB3]  }
0x2a: {  	p0 =	seq.s32 s5, $0x0;
	s5 =	sld [smem:$0x3FB4]  }
0x2b: {  	s6 =	sld [smem:$0x3FB5]  }
0x2c: {  	s7 =	sld [smem:$0x3FB6]  }
0x2d: {  	s3 =	simm.s32 $0x108;
	s8 =	sld [smem:$0x3FB7]  }
0x2e: {  	s3 =	simm.s32 @!p0 $0x1082;
	s9 =	sld [smem:$0x3FB8]  }
0x2f: {  	lr =	sadd.s32 s0, s3;
	s0 =	sld [smem:$0x3FAF]  }
0x30: {  	s3 =	sld [smem:$0x3FB2]  }
0x31: {  	[smem:$0x3FBB] =	sst s10  }
0x32: {  	s10 =	sld [smem:$0x3FB9];
	_ =	sdelay $0x3  }
0x33: {  	p0 =	seq.s32 s10, $0x1;
	s10 =	sld [smem:$0x3FBB];
	_ =	sdelay $0x3  }
0x34: {  	[smem:$0x3FBB] =	sst s10  }
0x35: {  	s10 =	sld [smem:$0x3FBA];
	_ =	sdelay $0x3  }
0x36: {  	p1 =	seq.s32 s10, $0x1;
	s10 =	sld [smem:$0x3FBB];
	_ =	sdelay $0x3  }
0x37: {  	[smem:$0x3FBB] =	sst s10  }
0x38: {  	s10 =	sld [smem:$0x3FBC]  }
0x39: {  	_ = 	snop;
	(pc) =	sbr.ind lr, $3  }
0x3a: {  	_ = 	snop  }
0x3b: {  	_ = 	snop  }
0x3c: {  	p2 =	seq.s32 s10, $0x1;
	s10 =	sld [smem:$0x3FBB]  }
0x3d: {  	_ =	shalt  }
0x3e: {  	_ =	shalt  }
0x3f: {  	_ =	shalt  }
0x40: {  	_ =	shalt  }
0x41: {  	_ =	shalt  }
0x42: {  	_ =	shalt  }
0x43: {  	_ =	shalt  }
0x44: {  	_ =	shalt  }
0x45: {  	_ =	shalt  }
0x46: {  	_ =	shalt  }
0x47: {  	_ =	shalt  }
0x48: {  	_ =	shalt  }
0x49: {  	_ =	shalt  }
0x4a: {  	_ =	shalt  }
0x4b: {  	_ =	shalt  }
0x4c: {  	_ =	shalt  }
0x4d: {  	_ =	shalt  }
0x4e: {  	_ =	shalt  }
0x4f: {  	_ =	shalt  }
0x50: {  	_ =	shalt  }
0x51: {  	_ =	shalt  }
0x52: {  	_ =	shalt  }
0x53: {  	_ =	shalt  }
0x54: {  	_ =	shalt  }
0x55: {  	_ =	shalt  }
0x56: {  	_ =	shalt  }
0x57: {  	_ =	shalt  }
0x58: {  	_ =	shalt  }
0x59: {  	_ =	shalt  }
0x5a: {  	_ =	shalt  }
0x5b: {  	_ =	shalt  }
0x5c: {  	_ =	shalt  }
0x5d: {  	_ =	shalt  }
0x5e: {  	_ =	shalt  }
0x5f: {  	_ =	shalt  }
0x60: {  	_ =	shalt  }
0x61: {  	_ =	shalt  }
0x62: {  	_ =	shalt  }
0x63: {  	_ =	shalt  }
0x64: {  	_ =	shalt  }
0x65: {  	_ =	shalt  }
0x66: {  	_ =	shalt  }
0x67: {  	_ =	shalt  }
0x68: {  	_ =	shalt  }
0x69: {  	_ =	shalt  }
0x6a: {  	_ =	shalt  }
0x6b: {  	_ =	shalt  }
0x6c: {  	_ =	shalt  }
0x6d: {  	_ =	shalt  }
0x6e: {  	_ =	shalt  }
0x6f: {  	_ =	shalt  }
0x70: {  	_ =	shalt  }
0x71: {  	_ =	shalt  }
0x72: {  	_ =	shalt  }
0x73: {  	_ =	shalt  }
0x74: {  	_ =	shalt  }
0x75: {  	_ =	shalt  }
0x76: {  	_ =	shalt  }
0x77: {  	_ =	shalt  }
0x78: {  	_ =	shalt  }
0x79: {  	_ =	shalt  }
0x7a: {  	_ =	shalt  }
0x7b: {  	_ =	shalt  }
0x7c: {  	_ =	shalt  }
0x7d: {  	_ =	shalt  }
0x7e: {  	_ =	shalt  }
0x7f: {  	_ =	shalt  }
0x80: {  	_ =	shalt  }
0x81: {  	_ =	shalt  }
0x82: {  	_ =	shalt  }
0x83: {  	_ =	shalt  }
0x84: {  	_ =	shalt  }
0x85: {  	_ =	shalt  }
0x86: {  	_ =	shalt  }
0x87: {  	_ =	shalt  }
.Lfunc_end0:
.L_simem_size_0:
called_computation_lowered:
.L_overlay_start_0:
0x88: {  	s2 =	sld [smem:$0x3FD9]  }
0x89: {  	s3 =	sld [smem:$0x3FFE];
	_ =	sdelay $0x1  }
0x8a: {  	s1 =	srdreg.scid  }
0x8b: {  	s0 =	sand.u32 $0x1, s1  }
0x8c: {  	s16 =	sshll.u32 s0, $0xA;
	s2 =	sadd.s32 s3, s2  }
0x8d: {  	s2 =	sadd.s32 s2, s16  }
0x8e: {  	[smem:$0x3FC7] =	sst s2  }
0x8f: {  	_ = 	snop  }
0x90: {  	(tm) =	ssettm $0x1  }
0x91: {  	s17 =	sld [smem:$0x3FFB];
	_ =	sdelay $0x3  }
0x92: {  	_ =	strace s17  }
0x93: {  	s2 =	sld [smem:$0x3FFC];
	_ =	sdelay $0x3  }
0x94: {  	_ =	strace s2  }
0x95: {  	s2 =	sld [smem:$0x3FFD];
	_ =	sdelay $0x3  }
0x96: {  	_ =	strace s2  }
0x97: {  	_ =	strace $0x8FFFFFFF  }
0x98: {  	s18 =	sld [smem:$0x3FDB];
	_ =	sdelay $0x1  }
0x99: {  	s19 =	simm.s32 $_scs_section_size  }
0x9a: {  	s4 =	simm.s32 $_size__tile_overlayer_lowered;
	s5 =	simm.s32 $_tile_overlayer_lowered  }
0x9b: {  	s22 =	simm.s32 $0x1BFF;
	s21 =	sshll.u32 s5, $0x1;
	s2 =	sadd.s32 s19, s18  }
0x9c: {  	s6 =	simm.s32 $0x0;
	s20 =	sshll.u32 s4, $0x1;
	s4 =	sadd.s32 s21, s2  }
0x9d: {  	[timem:s6], [sflag:s22] =	dma.local [hbm:s4], s20  }
0x9e: {  	_ =	swait.ge [sflag:s22], s20  }
0x9f: {  	s3 =	ssub.s32 $0x0, s20;
	[sflag:s22] =	ssyncset.done $0x0  }
0xa0: {  	[sflag:s22] =	ssyncadd.s32 s3;
	_ =	sdelay $0x1  }
0xa1: {  	s23 =	simm.s32 $0x1B8B  }
0xa2: {  	_ =	swait.ge [sflag:s23], $0x1  }
0xa3: {  	[sflag:s23] =	ssyncset.done $0x0  }
0xa4: {  	s25 =	simm.s32 $0x1B8E;
	s24 =	sld [smem:$0x3FFE];
	[sflag:s23] =	ssyncadd.s32 $0xFFFFFFFF  }
0xa5: {  	s26 =	simm.s32 $execute0_lowered;
	[smem:$0x3FD2] =	sst s25  }
0xa6: {  	s4 =	sshll.u32 s26, $0x1;
	_ =	strace $0x80000046;
	[dreg:$0x1] =	wrdreg $0xFFFFFFFF  }
0xa7: {  	s28 =	simm.s32 $_size_execute0_lowered;
	s2 =	sadd.s32 s2, s4;
	[dreg:$0x0] =	wrdreg $0x0  }
0xa8: {  	s4 =	sshll.u32 s28, $0x1;
	[dreg:$0x2] =	wrdreg s2  }
0xa9: {  	[dreg:$0x3] =	wrdreg s4  }
0xaa: {  	[dreg:$0x4] =	wrdreg $0xC0  }
0xab: {  	_ =	task [dreg:s6], $0x5FFFF  }
0xac: {  	[dreg:$0x1] =	wrdreg $0xFFFFFFFF  }
0xad: {  	[dreg:$0x0] =	wrdreg $0x60  }
0xae: {  	[dreg:$0x2] =	wrdreg s24  }
0xaf: {  	[dreg:$0x3] =	wrdreg $0x9  }
0xb0: {  	_ =	task.clear_ibuf [dreg:s6], $0x4FFFF;
	_ =	strace $0x90000046  }
0xb1: {  	s29 =	simm.s32 $0x9;
	_ =	strace $0x80000048  }
0xb2: {  	_ =	swait.ge [sflag:s29], $0x1  }
0xb3: {  	[sflag:s29] =	ssyncadd.s32 $0xFFFFFFFF  }
0xb4: {  	_ =	strace $0x90000048  }
0xb5: {  	_ =	sfence  }
0xb6: {  	s30 =	sld [smem:$0x0];
	_ =	sdelay $0x2  }
0xb7: {  	s31 =	sshll.u32 s1, $0xD;
	s1 =	sshrl.u32 s1, $0x2  }
0xb8: {  	s3 =	sand.u32 $0x4000, s31;
	s1 =	sadd.s32 s1, s30  }
0xb9: {  	s0 =	sor.u32 s3, s0;
	s1 =	sshll.u32 s1, $0x11  }
0xba: {  	s0 =	sor.u32 s1, s0  }
0xbb: {  	s0 =	sadd.s32 $0x8F2B, s0  }
0xbc: {  	[sflag:s0] =	ssyncadd.remote.s32 $0x1  }
0xbd: {  	_ =	sfence.sel $0xFFFF  }
0xbe: {  	[dreg:$0x0] =	wrdreg $0xFFFFFFFF;
	(pc) =	sbr.abs _section_cstart, $3  }
0xbf: {  	[dreg:$0x1] =	wrdreg $0xFFFFFFFF  }
0xc0: {  	_ =	task.clear_ibuf [dreg:s6], $0x2FFFF;
	_ =	strace $0x9FFFFFFF  }
0xc1: {  	(tm) =	ssettm $0x7FFFFFFF  }
tec
execute0_lowered:
.L_overlay_start_1:
0x0: {  	(tag) =	ssettag $0x1  }
0x1: {  	s0 =	rddreg [dreg:$0x0]  }
0x2: {  	s1 =	srdreg.scid;
	s9 =	stileid.u32  }
0x3: {  	s2 =	simm.s32 $0x0;
	s15 =	simm.s32 $0x2580;
	s11 =	simm.s32 $0x2600  }
0x4: {  	s12 =	simm.s32 $0x2680;
	s16 =	simm.s32 $0x2700;
	s17 =	simm.s32 $0x2780  }
0x5: {  	s18 =	simm.s32 $0x2800;
	s19 =	simm.s32 $0x2880;
	s20 =	simm.s32 $0x2900  }
0x6: {  	s28 =	simm.s32 $0x2C00;
	s29 =	simm.s32 $0x2C80;
	s13 =	simm.s32 $0x2E00  }
0x7: {  	s14 =	simm.s32 $0x2E80;
	s30 =	simm.s32 $0x2F00;
	s31 =	simm.s32 $0x2F80  }
0x8: {  	s1 =	sand.u32 $0x1, s1;
	s3 =	sshll.u32 s9, $0x1;
	s9 =	smul.u32 $0x34, s9  }
0x9: {  	s4 =	sor.u32 s1, s3;
	s7 =	ssub.s32 $0x2, s1;
	s1 =	smul.u32 $0x1A, s1  }
0xa: {  	s10 =	simm.s32 $0x0;
	[smem:$0x7FF] =	sst s2;
	s5 =	smul.u32 $0x16C, s4  }
0xb: {  	_ =	strace $0x80000047;
	s6 =	smul.u32 $0x1A0, s4;
	s8 =	sshrl.u32 s7, $0x1  }
0xc: {  	s3 =	sadd.s32 $0xE00, s0;
	s4 =	smul.u32 $0x1A, s4;
	s21 =	ssub.s32 s7, s8  }
0xd: {  	s1 =	sadd.s32 s1, s9;
	s9 =	simm.s32 $0x3;
	s5 =	sadd.s32 s5, s0  }
0xe: {  	s0 =	sadd.s32 s6, s0;
	s23 =	sor.u32 $0x1, s4;
	s4 =	smin.u32 s4, $0x30C  }
0xf: {  	s25 =	smax.u32 s21, $0x1;
	s26 =	sadd.s32 $0x3, s1;
	s21 =	simm.s32 $0x2980  }
0x10: {  	s1 =	simm.s32 $0x2D80;
	s5 =	sadd.s32 $0xC38E00, s5;
	[dreg:$0x6] =	wrdreg s25  }
0x11: {  	v0 =	vimm.s32 $0x3;
	s22 =	sadd.s32 $0xC3BC00, s0;
	s24 =	sadd.s32 $0xC3F000, s0;
	[dreg:$0x7] =	wrdreg s26  }
0x12: {  	v1 =	vimm.s32 $0x7;
	v2 =	vimm.s32 $0x0;
	v3 =	vlaneseq.u32;
	s4 =	sshll.u32 s4, $0x7;
	s0 =	sadd.s32 $0xC42400, s0;
	[dreg:$0x2] =	wrdreg s5  }
0x13: {  	vm0 =	vmmov $0x1;
	v4 =	vimm.s32 $0x1;
	v5 =	vimm.s32 $0x2;
	s25 =	simm.s32 $0x2B00;
	s26 =	simm.s32 $0x2B80;
	[dreg:$0x3] =	wrdreg s22  }
0x14: {  	v6 =	vimm.s32 $0x4;
	v7 =	vimm.s32 $0x5;
	v8 =	vimm.s32 $0x6;
	s5 =	smin.u32 s23, $0x30C;
	[dreg:$0x4] =	wrdreg s24;
	s7 =	sadd.s32 s3, s4  }
0x15: {  	v9 =	vimm.s32 $0x8;
	v10 =	vimm.s32 $0x9;
	v11 =	vimm.s32 $0xA;
	[dreg:$0x5] =	wrdreg s0;
	s22 =	simm.s32 $0x2A00;
	s24 =	simm.s32 $0x2A80  }
0x16: {  	v12 =	vimm.s32 $0xB;
	v13 =	vimm.s32 $0xC;
	v14 =	vimm.s32 $0xD;
	s0 =	simm.s32 $0x2D00;
	s23 =	simm.s32 $0x5D80;
	s5 =	sshll.u32 s5, $0x7  }
0x17: {  	v15 =	vimm.s32 $0xE;
	v16 =	vimm.s32 $0xF;
	v3 =	vmul.u32 $0x8, v3;
	s4 =	simm.s32 $0x1;
	s8 =	sadd.s32 s3, s5;
	s5 =	simm.s32 $0x2  }
.LBB2_1:
0x18: {  	[dreg:$0x8] =	wrdreg s10  }
0x19: {  	s6 =	rddreg [dreg:$0x2]  }
0x1a: {  	[tilespmem:s2], [sflag:$0x3] =	stream.linear.gather [hbm4b:s6+s2], $0xB60, $0x38;
	[tilespmem:$0xA280] =	vst v63  }
0x1b: {  	_ =	swait.ge [sflag:s9], $0xB60  }
0x1c: {  	[sflag:s9] =	ssyncset.done $0x0  }
0x1d: {  	s10 =	simm.s32 $0xB80;
	s6 =	rddreg [dreg:$0x3];
	[sflag:s9] =	ssyncadd.s32 $0xFFFFF4A0  }
0x1e: {  	[tilespmem:s10], [sflag:$0x3] =	stream.linear.gather [hbm4b:s6+s2], $0xD00, $0x38;
	[tilespmem:$0xA280] =	vst v63  }
0x1f: {  	_ =	swait.ge [sflag:s9], $0xD00  }
0x20: {  	[sflag:s9] =	ssyncset.done $0x0  }
0x21: {  	s10 =	simm.s32 $0x1880;
	s6 =	rddreg [dreg:$0x4];
	[sflag:s9] =	ssyncadd.s32 $0xFFFFF300  }
0x22: {  	[tilespmem:s10], [sflag:$0x3] =	stream.linear.gather [hbm4b:s6+s2], $0xD00, $0x38;
	[tilespmem:$0xA280] =	vst v63  }
0x23: {  	_ =	swait.ge [sflag:s9], $0xD00  }
0x24: {  	[sflag:s9] =	ssyncset.done $0x0  }
0x25: {  	[sflag:s9] =	ssyncadd.s32 $0xFFFFF300  }
0x26: {  	v17 =	vld [tilespmem:$0x0];
	_ =	sdelay $0x4  }
0x27: {  	v18 =	vshrl.u32 v17, $0x3  }
0x28: {  	v18 =	vmul.u32 $0x1870, v18  }
0x29: {  	v17 =	vand.u32 $0x7, v17  }
0x2a: {  	v17 =	vor.u32 v17, v18  }
0x2b: {  	v18 =	vperm.xlane v17, v2;
	_ =	sdelay $0x1  }
0x2c: {  	v19 =	vperm.xlane v17, v4;
	v18 =	vadd.s32 v3, v18;
	_ =	sdelay $0x1  }
0x2d: {  	v20 =	vperm.xlane v17, v5;
	v19 =	vadd.s32 v3, v19;
	_ =	sdelay $0x1  }
0x2e: {  	v21 =	vperm.xlane v17, v0;
	v20 =	vadd.s32 v3, v20  }
0x2f: {  	[tilespmem:s15], [sflag:$0x1] =	stream.indirect_vreg.gather [hbm4b:s7+s2], $0x80, v18, vm0, $0xb8;
	[tilespmem:$0xA280] =	vst v63  }
0x30: {  	v28 =	vperm.xlane v17, v6;
	v18 =	vadd.s32 v3, v21  }
0x31: {  	[tilespmem:s11], [sflag:$0x1] =	stream.indirect_vreg.gather [hbm4b:s7+s2], $0x80, v19, vm0, $0xb8;
	[tilespmem:$0xA280] =	vst v63  }
0x32: {  	v29 =	vperm.xlane v17, v7;
	v19 =	vadd.s32 v3, v28  }
0x33: {  	[tilespmem:s12], [sflag:$0x1] =	stream.indirect_vreg.gather [hbm4b:s7+s2], $0x80, v20, vm0, $0xb8;
	[tilespmem:$0xA280] =	vst v63  }
0x34: {  	v31 =	vperm.xlane v17, v8;
	v30 =	vadd.s32 v3, v29  }
0x35: {  	[tilespmem:s16], [sflag:$0x1] =	stream.indirect_vreg.gather [hbm4b:s7+s2], $0x80, v18, vm0, $0xb8;
	[tilespmem:$0xA280] =	vst v63  }
0x36: {  	v32 =	vperm.xlane v17, v1;
	v18 =	vadd.s32 v3, v31  }
0x37: {  	[tilespmem:s17], [sflag:$0x1] =	stream.indirect_vreg.gather [hbm4b:s7+s2], $0x80, v19, vm0, $0xb8;
	[tilespmem:$0xA280] =	vst v63  }
0x38: {  	v33 =	vperm.xlane v17, v9;
	v19 =	vadd.s32 v3, v32  }
0x39: {  	[tilespmem:s18], [sflag:$0x1] =	stream.indirect_vreg.gather [hbm4b:s7+s2], $0x80, v30, vm0, $0xb8;
	[tilespmem:$0xA280] =	vst v63  }
0x3a: {  	v35 =	vperm.xlane v17, v10;
	v34 =	vadd.s32 v3, v33  }
0x3b: {  	[tilespmem:s19], [sflag:$0x1] =	stream.indirect_vreg.gather [hbm4b:s7+s2], $0x80, v18, vm0, $0xb8;
	[tilespmem:$0xA280] =	vst v63  }
0x3c: {  	v36 =	vperm.xlane v17, v11;
	v18 =	vadd.s32 v3, v35  }
0x3d: {  	[tilespmem:s20], [sflag:$0x1] =	stream.indirect_vreg.gather [hbm4b:s7+s2], $0x80, v19, vm0, $0xb8;
	[tilespmem:$0xA280] =	vst v63  }
0x3e: {  	v37 =	vperm.xlane v17, v12;
	v19 =	vadd.s32 v3, v36  }
0x3f: {  	[tilespmem:s21], [sflag:$0x1] =	stream.indirect_vreg.gather [hbm4b:s7+s2], $0x80, v34, vm0, $0xb8;
	[tilespmem:$0xA280] =	vst v63  }
0x40: {  	v39 =	vperm.xlane v17, v13;
	v38 =	vadd.s32 v3, v37  }
0x41: {  	[tilespmem:s22], [sflag:$0x1] =	stream.indirect_vreg.gather [hbm4b:s7+s2], $0x80, v18, vm0, $0xb8;
	[tilespmem:$0xA280] =	vst v63  }
0x42: {  	v40 =	vperm.xlane v17, v14;
	v18 =	vadd.s32 v3, v39  }
0x43: {  	[tilespmem:s24], [sflag:$0x1] =	stream.indirect_vreg.gather [hbm4b:s7+s2], $0x80, v19, vm0, $0xb8;
	[tilespmem:$0xA280] =	vst v63  }
0x44: {  	v41 =	vperm.xlane v17, v15;
	v19 =	vadd.s32 v3, v40  }
0x45: {  	[tilespmem:s25], [sflag:$0x1] =	stream.indirect_vreg.gather [hbm4b:s7+s2], $0x80, v38, vm0, $0xb8;
	[tilespmem:$0xA280] =	vst v63  }
0x46: {  	v17 =	vperm.xlane v17, v16;
	v42 =	vadd.s32 v3, v41  }
0x47: {  	[tilespmem:s26], [sflag:$0x1] =	stream.indirect_vreg.gather [hbm4b:s7+s2], $0x80, v18, vm0, $0xb8;
	[tilespmem:$0xA280] =	vst v63  }
0x48: {  	v17 =	vadd.s32 v3, v17  }
0x49: {  	[tilespmem:s28], [sflag:$0x1] =	stream.indirect_vreg.gather [hbm4b:s7+s2], $0x80, v19, vm0, $0xb8;
	[tilespmem:$0xA280] =	vst v63  }
0x4a: {  	_ = 	snop  }
0x4b: {  	[tilespmem:s29], [sflag:$0x1] =	stream.indirect_vreg.gather [hbm4b:s7+s2], $0x80, v42, vm0, $0xb8;
	[tilespmem:$0xA280] =	vst v63  }
0x4c: {  	_ = 	snop  }
0x4d: {  	[tilespmem:s0], [sflag:$0x1] =	stream.indirect_vreg.gather [hbm4b:s7+s2], $0x80, v17, vm0, $0xb8;
	[tilespmem:$0xA280] =	vst v63  }
0x4e: {  	v17 =	vld [tilespmem:$0x10];
	_ =	sdelay $0x4  }
0x4f: {  	v18 =	vshrl.u32 v17, $0x3  }
0x50: {  	v18 =	vmul.u32 $0x1870, v18  }
0x51: {  	v17 =	vand.u32 $0x7, v17  }
0x52: {  	v17 =	vor.u32 v17, v18  }
0x53: {  	v18 =	vperm.xlane v17, v2;
	_ =	sdelay $0x1  }
0x54: {  	v19 =	vperm.xlane v17, v4;
	v18 =	vadd.s32 v3, v18;
	_ =	sdelay $0x1  }
0x55: {  	v43 =	vperm.xlane v17, v5;
	v19 =	vadd.s32 v3, v19;
	_ =	sdelay $0x1  }
0x56: {  	v44 =	vperm.xlane v17, v0;
	v20 =	vadd.s32 v3, v43  }
0x57: {  	[tilespmem:s1], [sflag:$0x1] =	stream.indirect_vreg.gather [hbm4b:s7+s2], $0x80, v18, vm0, $0xb8;
	[tilespmem:$0xA280] =	vst v63  }
0x58: {  	v45 =	vperm.xlane v17, v6;
	v18 =	vadd.s32 v3, v44  }
0x59: {  	[tilespmem:s13], [sflag:$0x1] =	stream.indirect_vreg.gather [hbm4b:s7+s2], $0x80, v19, vm0, $0xb8;
	[tilespmem:$0xA280] =	vst v63  }
0x5a: {  	v46 =	vperm.xlane v17, v7;
	v19 =	vadd.s32 v3, v45  }
0x5b: {  	[tilespmem:s14], [sflag:$0x1] =	stream.indirect_vreg.gather [hbm4b:s7+s2], $0x80, v20, vm0, $0xb8;
	[tilespmem:$0xA280] =	vst v63  }
0x5c: {  	v48 =	vperm.xlane v17, v8;
	v47 =	vadd.s32 v3, v46  }
0x5d: {  	[tilespmem:s30], [sflag:$0x1] =	stream.indirect_vreg.gather [hbm4b:s7+s2], $0x80, v18, vm0, $0xb8;
	[tilespmem:$0xA280] =	vst v63  }
0x5e: {  	v49 =	vperm.xlane v17, v1;
	v18 =	vadd.s32 v3, v48  }
0x5f: {  	[tilespmem:s31], [sflag:$0x1] =	stream.indirect_vreg.gather [hbm4b:s7+s2], $0x80, v19, vm0, $0xb8;
	[tilespmem:$0xA280] =	vst v63  }
0x60: {  	v50 =	vperm.xlane v17, v9;
	s13 =	simm.s32 $0x3000;
	v19 =	vadd.s32 v3, v49  }
0x61: {  	[tilespmem:s13], [sflag:$0x1] =	stream.indirect_vreg.gather [hbm4b:s7+s2], $0x80, v47, vm0, $0xb8;
	[tilespmem:$0xA280] =	vst v63  }
0x62: {  	v52 =	vperm.xlane v17, v10;
	v51 =	vadd.s32 v3, v50;
	s14 =	simm.s32 $0x3080  }
0x63: {  	[tilespmem:s14], [sflag:$0x1] =	stream.indirect_vreg.gather [hbm4b:s7+s2], $0x80, v18, vm0, $0xb8;
	[tilespmem:$0xA280] =	vst v63  }
0x64: {  	s16 =	simm.s32 $0x3100;
	v53 =	vperm.xlane v17, v11;
	v18 =	vadd.s32 v3, v52  }
0x65: {  	[tilespmem:s16], [sflag:$0x1] =	stream.indirect_vreg.gather [hbm4b:s7+s2], $0x80, v19, vm0, $0xb8;
	[tilespmem:$0xA280] =	vst v63  }
0x66: {  	s17 =	simm.s32 $0x3180;
	v54 =	vperm.xlane v17, v12;
	v19 =	vadd.s32 v3, v53  }
0x67: {  	[tilespmem:s17], [sflag:$0x1] =	stream.indirect_vreg.gather [hbm4b:s7+s2], $0x80, v51, vm0, $0xb8;
	[tilespmem:$0xA280] =	vst v63  }
0x68: {  	s18 =	simm.s32 $0x3200;
	v56 =	vperm.xlane v17, v13;
	v55 =	vadd.s32 v3, v54  }
0x69: {  	[tilespmem:s18], [sflag:$0x1] =	stream.indirect_vreg.gather [hbm4b:s7+s2], $0x80, v18, vm0, $0xb8;
	[tilespmem:$0xA280] =	vst v63  }
0x6a: {  	s19 =	simm.s32 $0x3280;
	v57 =	vperm.xlane v17, v14;
	v18 =	vadd.s32 v3, v56  }
0x6b: {  	[tilespmem:s19], [sflag:$0x1] =	stream.indirect_vreg.gather [hbm4b:s7+s2], $0x80, v19, vm0, $0xb8;
	[tilespmem:$0xA280] =	vst v63  }
0x6c: {  	s20 =	simm.s32 $0x3300;
	v58 =	vperm.xlane v17, v15;
	v19 =	vadd.s32 v3, v57  }
0x6d: {  	[tilespmem:s20], [sflag:$0x1] =	stream.indirect_vreg.gather [hbm4b:s7+s2], $0x80, v55, vm0, $0xb8;
	[tilespmem:$0xA280] =	vst v63  }
0x6e: {  	s21 =	simm.s32 $0x3380;
	v17 =	vperm.xlane v17, v16;
	v59 =	vadd.s32 v3, v58  }
0x6f: {  	[tilespmem:s21], [sflag:$0x1] =	stream.indirect_vreg.gather [hbm4b:s7+s2], $0x80, v18, vm0, $0xb8;
	[tilespmem:$0xA280] =	vst v63  }
0x70: {  	s22 =	simm.s32 $0x3400;
	v17 =	vadd.s32 v3, v17  }
0x71: {  	[tilespmem:s22], [sflag:$0x1] =	stream.indirect_vreg.gather [hbm4b:s7+s2], $0x80, v19, vm0, $0xb8;
	[tilespmem:$0xA280] =	vst v63  }
0x72: {  	s24 =	simm.s32 $0x3480  }
0x73: {  	[tilespmem:s24], [sflag:$0x1] =	stream.indirect_vreg.gather [hbm4b:s7+s2], $0x80, v59, vm0, $0xb8;
	[tilespmem:$0xA280] =	vst v63  }
0x74: {  	s25 =	simm.s32 $0x3500  }
0x75: {  	[tilespmem:s25], [sflag:$0x1] =	stream.indirect_vreg.gather [hbm4b:s7+s2], $0x80, v17, vm0, $0xb8;
	[tilespmem:$0xA280] =	vst v63  }
0x76: {  	v17 =	vld [tilespmem:$0x20];
	_ =	sdelay $0x4  }
0x77: {  	v18 =	vshrl.u32 v17, $0x3  }
0x78: {  	v18 =	vmul.u32 $0x1870, v18  }
0x79: {  	v17 =	vand.u32 $0x7, v17  }
0x7a: {  	v17 =	vor.u32 v17, v18  }
0x7b: {  	v18 =	vperm.xlane v17, v2;
	_ =	sdelay $0x1  }
0x7c: {  	v19 =	vperm.xlane v17, v4;
	v18 =	vadd.s32 v3, v18;
	_ =	sdelay $0x1  }
0x7d: {  	v60 =	vperm.xlane v17, v5;
	v19 =	vadd.s32 v3, v19;
	_ =	sdelay $0x1  }
0x7e: {  	s26 =	simm.s32 $0x3580;
	v61 =	vperm.xlane v17, v0;
	v20 =	vadd.s32 v3, v60  }
0x7f: {  	[tilespmem:s26], [sflag:$0x1] =	stream.indirect_vreg.gather [hbm4b:s7+s2], $0x80, v18, vm0, $0xb8;
	[tilespmem:$0xA280] =	vst v63  }
0x80: {  	s1 =	simm.s32 $0x3600;
	v62 =	vperm.xlane v17, v6;
	v18 =	vadd.s32 v3, v61  }
0x81: {  	[tilespmem:s1], [sflag:$0x1] =	stream.indirect_vreg.gather [hbm4b:s7+s2], $0x80, v19, vm0, $0xb8;
	[tilespmem:$0xA280] =	vst v63  }
0x82: {  	s6 =	simm.s32 $0x3680;
	v63 =	vperm.xlane v17, v7;
	v19 =	vadd.s32 v3, v62  }
0x83: {  	[tilespmem:s6], [sflag:$0x1] =	stream.indirect_vreg.gather [hbm4b:s7+s2], $0x80, v20, vm0, $0xb8;
	[tilespmem:$0xA280] =	vst v63  }
0x84: {  	s9 =	simm.s32 $0x3700;
	v25 =	vperm.xlane v17, v8;
	v24 =	vadd.s32 v3, v63  }
0x85: {  	[tilespmem:s9], [sflag:$0x1] =	stream.indirect_vreg.gather [hbm4b:s7+s2], $0x80, v18, vm0, $0xb8;
	[tilespmem:$0xA280] =	vst v63  }
0x86: {  	s10 =	simm.s32 $0x3780;
	v26 =	vperm.xlane v17, v1;
	v18 =	vadd.s32 v3, v25  }
0x87: {  	[tilespmem:s10], [sflag:$0x1] =	stream.indirect_vreg.gather [hbm4b:s7+s2], $0x80, v19, vm0, $0xb8;
	[tilespmem:$0xA280] =	vst v63  }
0x88: {  	s11 =	simm.s32 $0x3800;
	v27 =	vperm.xlane v17, v9;
	v19 =	vadd.s32 v3, v26  }
0x89: {  	[tilespmem:s11], [sflag:$0x1] =	stream.indirect_vreg.gather [hbm4b:s7+s2], $0x80, v24, vm0, $0xb8;
	[tilespmem:$0xA280] =	vst v63  }
0x8a: {  	s12 =	simm.s32 $0x3880;
	v29 =	vperm.xlane v17, v10;
	v28 =	vadd.s32 v3, v27  }
0x8b: {  	[tilespmem:s12], [sflag:$0x1] =	stream.indirect_vreg.gather [hbm4b:s7+s2], $0x80, v18, vm0, $0xb8;
	[tilespmem:$0xA280] =	vst v63  }
0x8c: {  	s13 =	simm.s32 $0x3900;
	v30 =	vperm.xlane v17, v11;
	v18 =	vadd.s32 v3, v29  }
0x8d: {  	[tilespmem:s13], [sflag:$0x1] =	stream.indirect_vreg.gather [hbm4b:s7+s2], $0x80, v19, vm0, $0xb8;
	[tilespmem:$0xA280] =	vst v63  }
0x8e: {  	s14 =	simm.s32 $0x3980;
	v31 =	vperm.xlane v17, v12;
	v19 =	vadd.s32 v3, v30  }
0x8f: {  	[tilespmem:s14], [sflag:$0x1] =	stream.indirect_vreg.gather [hbm4b:s7+s2], $0x80, v28, vm0, $0xb8;
	[tilespmem:$0xA280] =	vst v63  }
0x90: {  	s16 =	simm.s32 $0x3A00;
	v33 =	vperm.xlane v17, v13;
	v32 =	vadd.s32 v3, v31  }
0x91: {  	[tilespmem:s16], [sflag:$0x1] =	stream.indirect_vreg.gather [hbm4b:s7+s2], $0x80, v18, vm0, $0xb8;
	[tilespmem:$0xA280] =	vst v63  }
0x92: {  	s17 =	simm.s32 $0x3A80;
	v34 =	vperm.xlane v17, v14;
	v18 =	vadd.s32 v3, v33  }
0x93: {  	[tilespmem:s17], [sflag:$0x1] =	stream.indirect_vreg.gather [hbm4b:s7+s2], $0x80, v19, vm0, $0xb8;
	[tilespmem:$0xA280] =	vst v63  }
0x94: {  	s18 =	simm.s32 $0x3B00;
	v35 =	vperm.xlane v17, v15;
	v19 =	vadd.s32 v3, v34  }
0x95: {  	[tilespmem:s18], [sflag:$0x1] =	stream.indirect_vreg.gather [hbm4b:s7+s2], $0x80, v32, vm0, $0xb8;
	[tilespmem:$0xA280] =	vst v63  }
0x96: {  	s19 =	simm.s32 $0x3B80;
	v17 =	vperm.xlane v17, v16;
	v36 =	vadd.s32 v3, v35  }
0x97: {  	[tilespmem:s19], [sflag:$0x1] =	stream.indirect_vreg.gather [hbm4b:s7+s2], $0x80, v18, vm0, $0xb8;
	[tilespmem:$0xA280] =	vst v63  }
0x98: {  	s20 =	simm.s32 $0x3C00;
	v17 =	vadd.s32 v3, v17  }
0x99: {  	[tilespmem:s20], [sflag:$0x1] =	stream.indirect_vreg.gather [hbm4b:s7+s2], $0x80, v19, vm0, $0xb8;
	[tilespmem:$0xA280] =	vst v63  }
0x9a: {  	s21 =	simm.s32 $0x3C80  }
0x9b: {  	[tilespmem:s21], [sflag:$0x1] =	stream.indirect_vreg.gather [hbm4b:s7+s2], $0x80, v36, vm0, $0xb8;
	[tilespmem:$0xA280] =	vst v63  }
0x9c: {  	s22 =	simm.s32 $0x3D00  }
0x9d: {  	[tilespmem:s22], [sflag:$0x1] =	stream.indirect_vreg.gather [hbm4b:s7+s2], $0x80, v17, vm0, $0xb8;
	[tilespmem:$0xA280] =	vst v63  }
0x9e: {  	v17 =	vld [tilespmem:$0x30];
	_ =	sdelay $0x4  }
0x9f: {  	v18 =	vshrl.u32 v17, $0x3  }
0xa0: {  	v18 =	vmul.u32 $0x1870, v18  }
0xa1: {  	v17 =	vand.u32 $0x7, v17  }
0xa2: {  	v17 =	vor.u32 v17, v18  }
0xa3: {  	v18 =	vperm.xlane v17, v2;
	_ =	sdelay $0x1  }
0xa4: {  	v19 =	vperm.xlane v17, v4;
	v18 =	vadd.s32 v3, v18;
	_ =	sdelay $0x1  }
0xa5: {  	v37 =	vperm.xlane v17, v5;
	v19 =	vadd.s32 v3, v19;
	_ =	sdelay $0x1  }
0xa6: {  	s24 =	simm.s32 $0x3D80;
	v38 =	vperm.xlane v17, v0;
	v20 =	vadd.s32 v3, v37  }
0xa7: {  	[tilespmem:s24], [sflag:$0x1] =	stream.indirect_vreg.gather [hbm4b:s7+s2], $0x80, v18, vm0, $0xb8;
	[tilespmem:$0xA280] =	vst v63  }
0xa8: {  	s25 =	simm.s32 $0x3E00;
	v39 =	vperm.xlane v17, v6;
	v18 =	vadd.s32 v3, v38  }
0xa9: {  	[tilespmem:s25], [sflag:$0x1] =	stream.indirect_vreg.gather [hbm4b:s7+s2], $0x80, v19, vm0, $0xb8;
	[tilespmem:$0xA280] =	vst v63  }
0xaa: {  	s26 =	simm.s32 $0x3E80;
	v40 =	vperm.xlane v17, v7;
	v19 =	vadd.s32 v3, v39  }
0xab: {  	[tilespmem:s26], [sflag:$0x1] =	stream.indirect_vreg.gather [hbm4b:s7+s2], $0x80, v20, vm0, $0xb8;
	[tilespmem:$0xA280] =	vst v63  }
0xac: {  	s1 =	simm.s32 $0x3F00;
	v42 =	vperm.xlane v17, v8;
	v41 =	vadd.s32 v3, v40  }
0xad: {  	[tilespmem:s1], [sflag:$0x1] =	stream.indirect_vreg.gather [hbm4b:s7+s2], $0x80, v18, vm0, $0xb8;
	[tilespmem:$0xA280] =	vst v63  }
0xae: {  	s6 =	simm.s32 $0x3F80;
	v43 =	vperm.xlane v17, v1;
	v18 =	vadd.s32 v3, v42  }
0xaf: {  	[tilespmem:s6], [sflag:$0x1] =	stream.indirect_vreg.gather [hbm4b:s7+s2], $0x80, v19, vm0, $0xb8;
	[tilespmem:$0xA280] =	vst v63  }
0xb0: {  	s9 =	simm.s32 $0x4000;
	v44 =	vperm.xlane v17, v9;
	v19 =	vadd.s32 v3, v43  }
0xb1: {  	[tilespmem:s9], [sflag:$0x1] =	stream.indirect_vreg.gather [hbm4b:s7+s2], $0x80, v41, vm0, $0xb8;
	[tilespmem:$0xA280] =	vst v63  }
0xb2: {  	s10 =	simm.s32 $0x4080;
	v46 =	vperm.xlane v17, v10;
	v45 =	vadd.s32 v3, v44  }
0xb3: {  	[tilespmem:s10], [sflag:$0x1] =	stream.indirect_vreg.gather [hbm4b:s7+s2], $0x80, v18, vm0, $0xb8;
	[tilespmem:$0xA280] =	vst v63  }
0xb4: {  	s11 =	simm.s32 $0x4100;
	v47 =	vperm.xlane v17, v11;
	v18 =	vadd.s32 v3, v46  }
0xb5: {  	[tilespmem:s11], [sflag:$0x1] =	stream.indirect_vreg.gather [hbm4b:s7+s2], $0x80, v19, vm0, $0xb8;
	[tilespmem:$0xA280] =	vst v63  }
0xb6: {  	s12 =	simm.s32 $0x4180;
	v48 =	vperm.xlane v17, v12;
	v19 =	vadd.s32 v3, v47  }
0xb7: {  	[tilespmem:s12], [sflag:$0x1] =	stream.indirect_vreg.gather [hbm4b:s7+s2], $0x80, v45, vm0, $0xb8;
	[tilespmem:$0xA280] =	vst v63  }
0xb8: {  	s13 =	simm.s32 $0x4200;
	v50 =	vperm.xlane v17, v13;
	v49 =	vadd.s32 v3, v48  }
0xb9: {  	[tilespmem:s13], [sflag:$0x1] =	stream.indirect_vreg.gather [hbm4b:s7+s2], $0x80, v18, vm0, $0xb8;
	[tilespmem:$0xA280] =	vst v63  }
0xba: {  	s14 =	simm.s32 $0x4280;
	v51 =	vperm.xlane v17, v14;
	v18 =	vadd.s32 v3, v50  }
0xbb: {  	[tilespmem:s14], [sflag:$0x1] =	stream.indirect_vreg.gather [hbm4b:s7+s2], $0x80, v19, vm0, $0xb8;
	[tilespmem:$0xA280] =	vst v63  }
0xbc: {  	s16 =	simm.s32 $0x4300;
	v52 =	vperm.xlane v17, v15;
	v19 =	vadd.s32 v3, v51  }
0xbd: {  	[tilespmem:s16], [sflag:$0x1] =	stream.indirect_vreg.gather [hbm4b:s7+s2], $0x80, v49, vm0, $0xb8;
	[tilespmem:$0xA280] =	vst v63  }
0xbe: {  	s17 =	simm.s32 $0x4380;
	v17 =	vperm.xlane v17, v16;
	v53 =	vadd.s32 v3, v52  }
0xbf: {  	[tilespmem:s17], [sflag:$0x1] =	stream.indirect_vreg.gather [hbm4b:s7+s2], $0x80, v18, vm0, $0xb8;
	[tilespmem:$0xA280] =	vst v63  }
0xc0: {  	s18 =	simm.s32 $0x4400;
	v17 =	vadd.s32 v3, v17  }
0xc1: {  	[tilespmem:s18], [sflag:$0x1] =	stream.indirect_vreg.gather [hbm4b:s7+s2], $0x80, v19, vm0, $0xb8;
	[tilespmem:$0xA280] =	vst v63  }
0xc2: {  	s19 =	simm.s32 $0x4480  }
0xc3: {  	[tilespmem:s19], [sflag:$0x1] =	stream.indirect_vreg.gather [hbm4b:s7+s2], $0x80, v53, vm0, $0xb8;
	[tilespmem:$0xA280] =	vst v63  }
0xc4: {  	s20 =	simm.s32 $0x4500  }
0xc5: {  	[tilespmem:s20], [sflag:$0x1] =	stream.indirect_vreg.gather [hbm4b:s7+s2], $0x80, v17, vm0, $0xb8;
	[tilespmem:$0xA280] =	vst v63  }
0xc6: {  	v17 =	vld [tilespmem:$0x40];
	_ =	sdelay $0x4  }
0xc7: {  	v18 =	vshrl.u32 v17, $0x3  }
0xc8: {  	v18 =	vmul.u32 $0x1870, v18  }
0xc9: {  	v17 =	vand.u32 $0x7, v17  }
0xca: {  	v17 =	vor.u32 v17, v18  }
0xcb: {  	v18 =	vperm.xlane v17, v2;
	_ =	sdelay $0x1  }
0xcc: {  	v19 =	vperm.xlane v17, v4;
	v18 =	vadd.s32 v3, v18;
	_ =	sdelay $0x1  }
0xcd: {  	v54 =	vperm.xlane v17, v5;
	v19 =	vadd.s32 v3, v19;
	_ =	sdelay $0x1  }
0xce: {  	s21 =	simm.s32 $0x4580;
	v55 =	vperm.xlane v17, v0;
	v20 =	vadd.s32 v3, v54  }
0xcf: {  	[tilespmem:s21], [sflag:$0x1] =	stream.indirect_vreg.gather [hbm4b:s7+s2], $0x80, v18, vm0, $0xb8;
	[tilespmem:$0xA280] =	vst v63  }
0xd0: {  	s22 =	simm.s32 $0x4600;
	v56 =	vperm.xlane v17, v6;
	v18 =	vadd.s32 v3, v55  }
0xd1: {  	[tilespmem:s22], [sflag:$0x1] =	stream.indirect_vreg.gather [hbm4b:s7+s2], $0x80, v19, vm0, $0xb8;
	[tilespmem:$0xA280] =	vst v63  }
0xd2: {  	s24 =	simm.s32 $0x4680;
	v57 =	vperm.xlane v17, v7;
	v19 =	vadd.s32 v3, v56  }
0xd3: {  	[tilespmem:s24], [sflag:$0x1] =	stream.indirect_vreg.gather [hbm4b:s7+s2], $0x80, v20, vm0, $0xb8;
	[tilespmem:$0xA280] =	vst v63  }
0xd4: {  	s25 =	simm.s32 $0x4700;
	v59 =	vperm.xlane v17, v8;
	v58 =	vadd.s32 v3, v57  }
0xd5: {  	[tilespmem:s25], [sflag:$0x1] =	stream.indirect_vreg.gather [hbm4b:s7+s2], $0x80, v18, vm0, $0xb8;
	[tilespmem:$0xA280] =	vst v63  }
0xd6: {  	s26 =	simm.s32 $0x4780;
	v60 =	vperm.xlane v17, v1;
	v18 =	vadd.s32 v3, v59  }
0xd7: {  	[tilespmem:s26], [sflag:$0x1] =	stream.indirect_vreg.gather [hbm4b:s7+s2], $0x80, v19, vm0, $0xb8;
	[tilespmem:$0xA280] =	vst v63  }
0xd8: {  	s1 =	simm.s32 $0x4800;
	v61 =	vperm.xlane v17, v9;
	v19 =	vadd.s32 v3, v60  }
0xd9: {  	[tilespmem:s1], [sflag:$0x1] =	stream.indirect_vreg.gather [hbm4b:s7+s2], $0x80, v58, vm0, $0xb8;
	[tilespmem:$0xA280] =	vst v63  }
0xda: {  	s6 =	simm.s32 $0x4880;
	v63 =	vperm.xlane v17, v10;
	v62 =	vadd.s32 v3, v61  }
0xdb: {  	[tilespmem:s6], [sflag:$0x1] =	stream.indirect_vreg.gather [hbm4b:s7+s2], $0x80, v18, vm0, $0xb8;
	[tilespmem:$0xA280] =	vst v63  }
0xdc: {  	s9 =	simm.s32 $0x4900;
	v24 =	vperm.xlane v17, v11;
	v18 =	vadd.s32 v3, v63  }
0xdd: {  	[tilespmem:s9], [sflag:$0x1] =	stream.indirect_vreg.gather [hbm4b:s7+s2], $0x80, v19, vm0, $0xb8;
	[tilespmem:$0xA280] =	vst v63  }
0xde: {  	s10 =	simm.s32 $0x4980;
	v25 =	vperm.xlane v17, v12;
	v19 =	vadd.s32 v3, v24  }
0xdf: {  	[tilespmem:s10], [sflag:$0x1] =	stream.indirect_vreg.gather [hbm4b:s7+s2], $0x80, v62, vm0, $0xb8;
	[tilespmem:$0xA280] =	vst v63  }
0xe0: {  	s11 =	simm.s32 $0x4A00;
	v27 =	vperm.xlane v17, v13;
	v26 =	vadd.s32 v3, v25  }
0xe1: {  	[tilespmem:s11], [sflag:$0x1] =	stream.indirect_vreg.gather [hbm4b:s7+s2], $0x80, v18, vm0, $0xb8;
	[tilespmem:$0xA280] =	vst v63  }
0xe2: {  	s12 =	simm.s32 $0x4A80;
	v28 =	vperm.xlane v17, v14;
	v18 =	vadd.s32 v3, v27  }
0xe3: {  	[tilespmem:s12], [sflag:$0x1] =	stream.indirect_vreg.gather [hbm4b:s7+s2], $0x80, v19, vm0, $0xb8;
	[tilespmem:$0xA280] =	vst v63  }
0xe4: {  	s13 =	simm.s32 $0x4B00;
	v29 =	vperm.xlane v17, v15;
	v19 =	vadd.s32 v3, v28  }
0xe5: {  	[tilespmem:s13], [sflag:$0x1] =	stream.indirect_vreg.gather [hbm4b:s7+s2], $0x80, v26, vm0, $0xb8;
	[tilespmem:$0xA280] =	vst v63  }
0xe6: {  	s14 =	simm.s32 $0x4B80;
	v17 =	vperm.xlane v17, v16;
	v30 =	vadd.s32 v3, v29  }
0xe7: {  	[tilespmem:s14], [sflag:$0x1] =	stream.indirect_vreg.gather [hbm4b:s7+s2], $0x80, v18, vm0, $0xb8;
	[tilespmem:$0xA280] =	vst v63  }
0xe8: {  	s16 =	simm.s32 $0x4C00;
	v17 =	vadd.s32 v3, v17  }
0xe9: {  	[tilespmem:s16], [sflag:$0x1] =	stream.indirect_vreg.gather [hbm4b:s7+s2], $0x80, v19, vm0, $0xb8;
	[tilespmem:$0xA280] =	vst v63  }
0xea: {  	s17 =	simm.s32 $0x4C80  }
0xeb: {  	[tilespmem:s17], [sflag:$0x1] =	stream.indirect_vreg.gather [hbm4b:s7+s2], $0x80, v30, vm0, $0xb8;
	[tilespmem:$0xA280] =	vst v63  }
0xec: {  	s18 =	simm.s32 $0x4D00  }
0xed: {  	[tilespmem:s18], [sflag:$0x1] =	stream.indirect_vreg.gather [hbm4b:s7+s2], $0x80, v17, vm0, $0xb8;
	[tilespmem:$0xA280] =	vst v63  }
0xee: {  	v17 =	vld [tilespmem:$0x50];
	_ =	sdelay $0x4  }
0xef: {  	v18 =	vshrl.u32 v17, $0x3  }
0xf0: {  	v18 =	vmul.u32 $0x1870, v18  }
0xf1: {  	v17 =	vand.u32 $0x7, v17  }
0xf2: {  	v17 =	vor.u32 v17, v18  }
0xf3: {  	v18 =	vperm.xlane v17, v2;
	_ =	sdelay $0x1  }
0xf4: {  	v19 =	vperm.xlane v17, v4;
	v18 =	vadd.s32 v3, v18;
	_ =	sdelay $0x1  }
0xf5: {  	v31 =	vperm.xlane v17, v5;
	v19 =	vadd.s32 v3, v19;
	_ =	sdelay $0x1  }
0xf6: {  	s19 =	simm.s32 $0x4D80;
	v32 =	vperm.xlane v17, v0;
	v20 =	vadd.s32 v3, v31  }
0xf7: {  	[tilespmem:s19], [sflag:$0x1] =	stream.indirect_vreg.gather [hbm4b:s7+s2], $0x80, v18, vm0, $0xb8;
	[tilespmem:$0xA280] =	vst v63  }
0xf8: {  	s20 =	simm.s32 $0x4E00;
	v33 =	vperm.xlane v17, v6;
	v18 =	vadd.s32 v3, v32  }
0xf9: {  	[tilespmem:s20], [sflag:$0x1] =	stream.indirect_vreg.gather [hbm4b:s7+s2], $0x80, v19, vm0, $0xb8;
	[tilespmem:$0xA280] =	vst v63  }
0xfa: {  	s21 =	simm.s32 $0x4E80;
	v34 =	vperm.xlane v17, v7;
	v19 =	vadd.s32 v3, v33  }
0xfb: {  	[tilespmem:s21], [sflag:$0x1] =	stream.indirect_vreg.gather [hbm4b:s7+s2], $0x80, v20, vm0, $0xb8;
	[tilespmem:$0xA280] =	vst v63  }
0xfc: {  	s22 =	simm.s32 $0x4F00;
	v36 =	vperm.xlane v17, v8;
	v35 =	vadd.s32 v3, v34  }
0xfd: {  	[tilespmem:s22], [sflag:$0x1] =	stream.indirect_vreg.gather [hbm4b:s7+s2], $0x80, v18, vm0, $0xb8;
	[tilespmem:$0xA280] =	vst v63  }
0xfe: {  	s24 =	simm.s32 $0x4F80;
	v37 =	vperm.xlane v17, v1;
	v18 =	vadd.s32 v3, v36  }
0xff: {  	[tilespmem:s24], [sflag:$0x1] =	stream.indirect_vreg.gather [hbm4b:s7+s2], $0x80, v19, vm0, $0xb8;
	[tilespmem:$0xA280] =	vst v63  }
0x100: {  	s25 =	simm.s32 $0x5000;
	v38 =	vperm.xlane v17, v9;
	v19 =	vadd.s32 v3, v37  }
0x101: {  	[tilespmem:s25], [sflag:$0x1] =	stream.indirect_vreg.gather [hbm4b:s7+s2], $0x80, v35, vm0, $0xb8;
	[tilespmem:$0xA280] =	vst v63  }
0x102: {  	s26 =	simm.s32 $0x5080;
	v40 =	vperm.xlane v17, v10;
	v39 =	vadd.s32 v3, v38  }
0x103: {  	[tilespmem:s26], [sflag:$0x1] =	stream.indirect_vreg.gather [hbm4b:s7+s2], $0x80, v18, vm0, $0xb8;
	[tilespmem:$0xA280] =	vst v63  }
0x104: {  	s1 =	simm.s32 $0x5100;
	v41 =	vperm.xlane v17, v11;
	v18 =	vadd.s32 v3, v40  }
0x105: {  	[tilespmem:s1], [sflag:$0x1] =	stream.indirect_vreg.gather [hbm4b:s7+s2], $0x80, v19, vm0, $0xb8;
	[tilespmem:$0xA280] =	vst v63  }
0x106: {  	s6 =	simm.s32 $0x5180;
	v42 =	vperm.xlane v17, v12;
	v19 =	vadd.s32 v3, v41  }
0x107: {  	[tilespmem:s6], [sflag:$0x1] =	stream.indirect_vreg.gather [hbm4b:s7+s2], $0x80, v39, vm0, $0xb8;
	[tilespmem:$0xA280] =	vst v63  }
0x108: {  	s9 =	simm.s32 $0x5200;
	v44 =	vperm.xlane v17, v13;
	v43 =	vadd.s32 v3, v42  }
0x109: {  	[tilespmem:s9], [sflag:$0x1] =	stream.indirect_vreg.gather [hbm4b:s7+s2], $0x80, v18, vm0, $0xb8;
	[tilespmem:$0xA280] =	vst v63  }
0x10a: {  	s10 =	simm.s32 $0x5280;
	v45 =	vperm.xlane v17, v14;
	v18 =	vadd.s32 v3, v44  }
0x10b: {  	[tilespmem:s10], [sflag:$0x1] =	stream.indirect_vreg.gather [hbm4b:s7+s2], $0x80, v19, vm0, $0xb8;
	[tilespmem:$0xA280] =	vst v63  }
0x10c: {  	s11 =	simm.s32 $0x5300;
	v46 =	vperm.xlane v17, v15;
	v19 =	vadd.s32 v3, v45  }
0x10d: {  	[tilespmem:s11], [sflag:$0x1] =	stream.indirect_vreg.gather [hbm4b:s7+s2], $0x80, v43, vm0, $0xb8;
	[tilespmem:$0xA280] =	vst v63  }
0x10e: {  	s12 =	simm.s32 $0x5380;
	v17 =	vperm.xlane v17, v16;
	v47 =	vadd.s32 v3, v46  }
0x10f: {  	[tilespmem:s12], [sflag:$0x1] =	stream.indirect_vreg.gather [hbm4b:s7+s2], $0x80, v18, vm0, $0xb8;
	[tilespmem:$0xA280] =	vst v63  }
0x110: {  	s13 =	simm.s32 $0x5400;
	v17 =	vadd.s32 v3, v17  }
0x111: {  	[tilespmem:s13], [sflag:$0x1] =	stream.indirect_vreg.gather [hbm4b:s7+s2], $0x80, v19, vm0, $0xb8;
	[tilespmem:$0xA280] =	vst v63  }
0x112: {  	s14 =	simm.s32 $0x5480  }
0x113: {  	[tilespmem:s14], [sflag:$0x1] =	stream.indirect_vreg.gather [hbm4b:s7+s2], $0x80, v47, vm0, $0xb8;
	[tilespmem:$0xA280] =	vst v63  }
0x114: {  	s16 =	simm.s32 $0x5500  }
0x115: {  	[tilespmem:s16], [sflag:$0x1] =	stream.indirect_vreg.gather [hbm4b:s7+s2], $0x80, v17, vm0, $0xb8;
	[tilespmem:$0xA280] =	vst v63  }
0x116: {  	v17 =	vld [tilespmem:$0x60];
	_ =	sdelay $0x4  }
0x117: {  	v18 =	vshrl.u32 v17, $0x3  }
0x118: {  	v18 =	vmul.u32 $0x1870, v18  }
0x119: {  	v17 =	vand.u32 $0x7, v17  }
0x11a: {  	v17 =	vor.u32 v17, v18  }
0x11b: {  	v18 =	vperm.xlane v17, v2;
	_ =	sdelay $0x1  }
0x11c: {  	v19 =	vperm.xlane v17, v4;
	v18 =	vadd.s32 v3, v18;
	_ =	sdelay $0x1  }
0x11d: {  	v48 =	vperm.xlane v17, v5;
	v19 =	vadd.s32 v3, v19;
	_ =	sdelay $0x1  }
0x11e: {  	s17 =	simm.s32 $0x5580;
	v49 =	vperm.xlane v17, v0;
	v20 =	vadd.s32 v3, v48  }
0x11f: {  	[tilespmem:s17], [sflag:$0x1] =	stream.indirect_vreg.gather [hbm4b:s7+s2], $0x80, v18, vm0, $0xb8;
	[tilespmem:$0xA280] =	vst v63  }
0x120: {  	s18 =	simm.s32 $0x5600;
	v50 =	vperm.xlane v17, v6;
	v18 =	vadd.s32 v3, v49  }
0x121: {  	[tilespmem:s18], [sflag:$0x1] =	stream.indirect_vreg.gather [hbm4b:s7+s2], $0x80, v19, vm0, $0xb8;
	[tilespmem:$0xA280] =	vst v63  }
0x122: {  	s19 =	simm.s32 $0x5680;
	v51 =	vperm.xlane v17, v7;
	v19 =	vadd.s32 v3, v50  }
0x123: {  	[tilespmem:s19], [sflag:$0x1] =	stream.indirect_vreg.gather [hbm4b:s7+s2], $0x80, v20, vm0, $0xb8;
	[tilespmem:$0xA280] =	vst v63  }
0x124: {  	s20 =	simm.s32 $0x5700;
	v53 =	vperm.xlane v17, v8;
	v52 =	vadd.s32 v3, v51  }
0x125: {  	[tilespmem:s20], [sflag:$0x1] =	stream.indirect_vreg.gather [hbm4b:s7+s2], $0x80, v18, vm0, $0xb8;
	[tilespmem:$0xA280] =	vst v63  }
0x126: {  	s21 =	simm.s32 $0x5780;
	v54 =	vperm.xlane v17, v1;
	v18 =	vadd.s32 v3, v53  }
0x127: {  	[tilespmem:s21], [sflag:$0x1] =	stream.indirect_vreg.gather [hbm4b:s7+s2], $0x80, v19, vm0, $0xb8;
	[tilespmem:$0xA280] =	vst v63  }
0x128: {  	s22 =	simm.s32 $0x5800;
	v55 =	vperm.xlane v17, v9;
	v19 =	vadd.s32 v3, v54  }
0x129: {  	[tilespmem:s22], [sflag:$0x1] =	stream.indirect_vreg.gather [hbm4b:s7+s2], $0x80, v52, vm0, $0xb8;
	[tilespmem:$0xA280] =	vst v63  }
0x12a: {  	s24 =	simm.s32 $0x5880;
	v57 =	vperm.xlane v17, v10;
	v56 =	vadd.s32 v3, v55  }
0x12b: {  	[tilespmem:s24], [sflag:$0x1] =	stream.indirect_vreg.gather [hbm4b:s7+s2], $0x80, v18, vm0, $0xb8;
	[tilespmem:$0xA280] =	vst v63  }
0x12c: {  	s25 =	simm.s32 $0x5900;
	v58 =	vperm.xlane v17, v11;
	v18 =	vadd.s32 v3, v57  }
0x12d: {  	[tilespmem:s25], [sflag:$0x1] =	stream.indirect_vreg.gather [hbm4b:s7+s2], $0x80, v19, vm0, $0xb8;
	[tilespmem:$0xA280] =	vst v63  }
0x12e: {  	s26 =	simm.s32 $0x5980;
	v59 =	vperm.xlane v17, v12;
	v19 =	vadd.s32 v3, v58  }
0x12f: {  	[tilespmem:s26], [sflag:$0x1] =	stream.indirect_vreg.gather [hbm4b:s7+s2], $0x80, v56, vm0, $0xb8;
	[tilespmem:$0xA280] =	vst v63  }
0x130: {  	s1 =	simm.s32 $0x5A00;
	v61 =	vperm.xlane v17, v13;
	v60 =	vadd.s32 v3, v59  }
0x131: {  	[tilespmem:s1], [sflag:$0x1] =	stream.indirect_vreg.gather [hbm4b:s7+s2], $0x80, v18, vm0, $0xb8;
	[tilespmem:$0xA280] =	vst v63  }
0x132: {  	s6 =	simm.s32 $0x5A80;
	v62 =	vperm.xlane v17, v14;
	v18 =	vadd.s32 v3, v61  }
0x133: {  	[tilespmem:s6], [sflag:$0x1] =	stream.indirect_vreg.gather [hbm4b:s7+s2], $0x80, v19, vm0, $0xb8;
	[tilespmem:$0xA280] =	vst v63  }
0x134: {  	s9 =	simm.s32 $0x5B00;
	v63 =	vperm.xlane v17, v15;
	v19 =	vadd.s32 v3, v62  }
0x135: {  	[tilespmem:s9], [sflag:$0x1] =	stream.indirect_vreg.gather [hbm4b:s7+s2], $0x80, v60, vm0, $0xb8;
	[tilespmem:$0xA280] =	vst v63  }
0x136: {  	s10 =	simm.s32 $0x5B80;
	v17 =	vperm.xlane v17, v16;
	v24 =	vadd.s32 v3, v63  }
0x137: {  	[tilespmem:s10], [sflag:$0x1] =	stream.indirect_vreg.gather [hbm4b:s7+s2], $0x80, v18, vm0, $0xb8;
	[tilespmem:$0xA280] =	vst v63  }
0x138: {  	s11 =	simm.s32 $0x5C00;
	v17 =	vadd.s32 v3, v17  }
0x139: {  	[tilespmem:s11], [sflag:$0x1] =	stream.indirect_vreg.gather [hbm4b:s7+s2], $0x80, v19, vm0, $0xb8;
	[tilespmem:$0xA280] =	vst v63  }
0x13a: {  	s12 =	simm.s32 $0x5C80  }
0x13b: {  	[tilespmem:s12], [sflag:$0x1] =	stream.indirect_vreg.gather [hbm4b:s7+s2], $0x80, v24, vm0, $0xb8;
	[tilespmem:$0xA280] =	vst v63  }
0x13c: {  	s13 =	simm.s32 $0x5D00  }
0x13d: {  	[tilespmem:s13], [sflag:$0x1] =	stream.indirect_vreg.gather [hbm4b:s7+s2], $0x80, v17, vm0, $0xb8;
	[tilespmem:$0xA280] =	vst v63  }
0x13e: {  	v17 =	vld [tilespmem:$0x70];
	_ =	sdelay $0x4  }
0x13f: {  	v18 =	vshrl.u32 v17, $0x3  }
0x140: {  	v18 =	vmul.u32 $0x1870, v18  }
0x141: {  	v17 =	vand.u32 $0x7, v17  }
0x142: {  	v17 =	vor.u32 v17, v18  }
0x143: {  	v18 =	vperm.xlane v17, v2;
	_ =	sdelay $0x1  }
0x144: {  	v19 =	vperm.xlane v17, v4;
	v18 =	vadd.s32 v3, v18;
	_ =	sdelay $0x1  }
0x145: {  	v25 =	vperm.xlane v17, v5;
	v19 =	vadd.s32 v3, v19;
	_ =	sdelay $0x1  }
0x146: {  	v26 =	vperm.xlane v17, v0;
	v20 =	vadd.s32 v3, v25  }
0x147: {  	[tilespmem:s23], [sflag:$0x2] =	stream.indirect_vreg.gather [hbm4b:s8+s2], $0x80, v18, vm0, $0xb8;
	[tilespmem:$0xA280] =	vst v63  }
0x148: {  	s14 =	simm.s32 $0x5E00;
	v27 =	vperm.xlane v17, v6;
	v18 =	vadd.s32 v3, v26  }
0x149: {  	[tilespmem:s14], [sflag:$0x2] =	stream.indirect_vreg.gather [hbm4b:s8+s2], $0x80, v19, vm0, $0xb8;
	[tilespmem:$0xA280] =	vst v63  }
0x14a: {  	s16 =	simm.s32 $0x5E80;
	v28 =	vperm.xlane v17, v7;
	v19 =	vadd.s32 v3, v27  }
0x14b: {  	[tilespmem:s16], [sflag:$0x2] =	stream.indirect_vreg.gather [hbm4b:s8+s2], $0x80, v20, vm0, $0xb8;
	[tilespmem:$0xA280] =	vst v63  }
0x14c: {  	s17 =	simm.s32 $0x5F00;
	v30 =	vperm.xlane v17, v8;
	v29 =	vadd.s32 v3, v28  }
0x14d: {  	[tilespmem:s17], [sflag:$0x2] =	stream.indirect_vreg.gather [hbm4b:s8+s2], $0x80, v18, vm0, $0xb8;
	[tilespmem:$0xA280] =	vst v63  }
0x14e: {  	s18 =	simm.s32 $0x5F80;
	v31 =	vperm.xlane v17, v1;
	v18 =	vadd.s32 v3, v30  }
0x14f: {  	[tilespmem:s18], [sflag:$0x2] =	stream.indirect_vreg.gather [hbm4b:s8+s2], $0x80, v19, vm0, $0xb8;
	[tilespmem:$0xA280] =	vst v63  }
0x150: {  	s19 =	simm.s32 $0x6000;
	v32 =	vperm.xlane v17, v9;
	v19 =	vadd.s32 v3, v31  }
0x151: {  	[tilespmem:s19], [sflag:$0x2] =	stream.indirect_vreg.gather [hbm4b:s8+s2], $0x80, v29, vm0, $0xb8;
	[tilespmem:$0xA280] =	vst v63  }
0x152: {  	s20 =	simm.s32 $0x6080;
	v34 =	vperm.xlane v17, v10;
	v33 =	vadd.s32 v3, v32  }
0x153: {  	[tilespmem:s20], [sflag:$0x2] =	stream.indirect_vreg.gather [hbm4b:s8+s2], $0x80, v18, vm0, $0xb8;
	[tilespmem:$0xA280] =	vst v63  }
0x154: {  	s21 =	simm.s32 $0x6100;
	v35 =	vperm.xlane v17, v11;
	v18 =	vadd.s32 v3, v34  }
0x155: {  	[tilespmem:s21], [sflag:$0x2] =	stream.indirect_vreg.gather [hbm4b:s8+s2], $0x80, v19, vm0, $0xb8;
	[tilespmem:$0xA280] =	vst v63  }
0x156: {  	s22 =	simm.s32 $0x6180;
	v36 =	vperm.xlane v17, v12;
	v19 =	vadd.s32 v3, v35  }
0x157: {  	[tilespmem:s22], [sflag:$0x2] =	stream.indirect_vreg.gather [hbm4b:s8+s2], $0x80, v33, vm0, $0xb8;
	[tilespmem:$0xA280] =	vst v63  }
0x158: {  	s24 =	simm.s32 $0x6200;
	v38 =	vperm.xlane v17, v13;
	v37 =	vadd.s32 v3, v36  }
0x159: {  	[tilespmem:s24], [sflag:$0x2] =	stream.indirect_vreg.gather [hbm4b:s8+s2], $0x80, v18, vm0, $0xb8;
	[tilespmem:$0xA280] =	vst v63  }
0x15a: {  	s25 =	simm.s32 $0x6280;
	v39 =	vperm.xlane v17, v14;
	v18 =	vadd.s32 v3, v38  }
0x15b: {  	[tilespmem:s25], [sflag:$0x2] =	stream.indirect_vreg.gather [hbm4b:s8+s2], $0x80, v19, vm0, $0xb8;
	[tilespmem:$0xA280] =	vst v63  }
0x15c: {  	s26 =	simm.s32 $0x6300;
	v40 =	vperm.xlane v17, v15;
	v19 =	vadd.s32 v3, v39  }
0x15d: {  	[tilespmem:s26], [sflag:$0x2] =	stream.indirect_vreg.gather [hbm4b:s8+s2], $0x80, v37, vm0, $0xb8;
	[tilespmem:$0xA280] =	vst v63  }
0x15e: {  	s1 =	simm.s32 $0x6380;
	v17 =	vperm.xlane v17, v16;
	v41 =	vadd.s32 v3, v40  }
0x15f: {  	[tilespmem:s1], [sflag:$0x2] =	stream.indirect_vreg.gather [hbm4b:s8+s2], $0x80, v18, vm0, $0xb8;
	[tilespmem:$0xA280] =	vst v63  }
0x160: {  	s6 =	simm.s32 $0x6400;
	v17 =	vadd.s32 v3, v17  }
0x161: {  	[tilespmem:s6], [sflag:$0x2] =	stream.indirect_vreg.gather [hbm4b:s8+s2], $0x80, v19, vm0, $0xb8;
	[tilespmem:$0xA280] =	vst v63  }
0x162: {  	s9 =	simm.s32 $0x6480  }
0x163: {  	[tilespmem:s9], [sflag:$0x2] =	stream.indirect_vreg.gather [hbm4b:s8+s2], $0x80, v41, vm0, $0xb8;
	[tilespmem:$0xA280] =	vst v63  }
0x164: {  	s10 =	simm.s32 $0x6500  }
0x165: {  	[tilespmem:s10], [sflag:$0x2] =	stream.indirect_vreg.gather [hbm4b:s8+s2], $0x80, v17, vm0, $0xb8;
	[tilespmem:$0xA280] =	vst v63  }
0x166: {  	v17 =	vld [tilespmem:$0x80];
	_ =	sdelay $0x4  }
0x167: {  	v18 =	vshrl.u32 v17, $0x3  }
0x168: {  	v18 =	vmul.u32 $0x1870, v18  }
0x169: {  	v17 =	vand.u32 $0x7, v17  }
0x16a: {  	v17 =	vor.u32 v17, v18  }
0x16b: {  	v18 =	vperm.xlane v17, v2;
	_ =	sdelay $0x1  }
0x16c: {  	v19 =	vperm.xlane v17, v4;
	v18 =	vadd.s32 v3, v18;
	_ =	sdelay $0x1  }
0x16d: {  	v42 =	vperm.xlane v17, v5;
	v19 =	vadd.s32 v3, v19;
	_ =	sdelay $0x1  }
0x16e: {  	s11 =	simm.s32 $0x6580;
	v43 =	vperm.xlane v17, v0;
	v20 =	vadd.s32 v3, v42  }
0x16f: {  	[tilespmem:s11], [sflag:$0x2] =	stream.indirect_vreg.gather [hbm4b:s8+s2], $0x80, v18, vm0, $0xb8;
	[tilespmem:$0xA280] =	vst v63  }
0x170: {  	s12 =	simm.s32 $0x6600;
	v44 =	vperm.xlane v17, v6;
	v18 =	vadd.s32 v3, v43  }
0x171: {  	[tilespmem:s12], [sflag:$0x2] =	stream.indirect_vreg.gather [hbm4b:s8+s2], $0x80, v19, vm0, $0xb8;
	[tilespmem:$0xA280] =	vst v63  }
0x172: {  	s13 =	simm.s32 $0x6680;
	v45 =	vperm.xlane v17, v7;
	v19 =	vadd.s32 v3, v44  }
0x173: {  	[tilespmem:s13], [sflag:$0x2] =	stream.indirect_vreg.gather [hbm4b:s8+s2], $0x80, v20, vm0, $0xb8;
	[tilespmem:$0xA280] =	vst v63  }
0x174: {  	s14 =	simm.s32 $0x6700;
	v47 =	vperm.xlane v17, v8;
	v46 =	vadd.s32 v3, v45  }
0x175: {  	[tilespmem:s14], [sflag:$0x2] =	stream.indirect_vreg.gather [hbm4b:s8+s2], $0x80, v18, vm0, $0xb8;
	[tilespmem:$0xA280] =	vst v63  }
0x176: {  	s16 =	simm.s32 $0x6780;
	v48 =	vperm.xlane v17, v1;
	v18 =	vadd.s32 v3, v47  }
0x177: {  	[tilespmem:s16], [sflag:$0x2] =	stream.indirect_vreg.gather [hbm4b:s8+s2], $0x80, v19, vm0, $0xb8;
	[tilespmem:$0xA280] =	vst v63  }
0x178: {  	s17 =	simm.s32 $0x6800;
	v49 =	vperm.xlane v17, v9;
	v19 =	vadd.s32 v3, v48  }
0x179: {  	[tilespmem:s17], [sflag:$0x2] =	stream.indirect_vreg.gather [hbm4b:s8+s2], $0x80, v46, vm0, $0xb8;
	[tilespmem:$0xA280] =	vst v63  }
0x17a: {  	s18 =	simm.s32 $0x6880;
	v51 =	vperm.xlane v17, v10;
	v50 =	vadd.s32 v3, v49  }
0x17b: {  	[tilespmem:s18], [sflag:$0x2] =	stream.indirect_vreg.gather [hbm4b:s8+s2], $0x80, v18, vm0, $0xb8;
	[tilespmem:$0xA280] =	vst v63  }
0x17c: {  	s19 =	simm.s32 $0x6900;
	v52 =	vperm.xlane v17, v11;
	v18 =	vadd.s32 v3, v51  }
0x17d: {  	[tilespmem:s19], [sflag:$0x2] =	stream.indirect_vreg.gather [hbm4b:s8+s2], $0x80, v19, vm0, $0xb8;
	[tilespmem:$0xA280] =	vst v63  }
0x17e: {  	s20 =	simm.s32 $0x6980;
	v53 =	vperm.xlane v17, v12;
	v19 =	vadd.s32 v3, v52  }
0x17f: {  	[tilespmem:s20], [sflag:$0x2] =	stream.indirect_vreg.gather [hbm4b:s8+s2], $0x80, v50, vm0, $0xb8;
	[tilespmem:$0xA280] =	vst v63  }
0x180: {  	s21 =	simm.s32 $0x6A00;
	v55 =	vperm.xlane v17, v13;
	v54 =	vadd.s32 v3, v53  }
0x181: {  	[tilespmem:s21], [sflag:$0x2] =	stream.indirect_vreg.gather [hbm4b:s8+s2], $0x80, v18, vm0, $0xb8;
	[tilespmem:$0xA280] =	vst v63  }
0x182: {  	s22 =	simm.s32 $0x6A80;
	v56 =	vperm.xlane v17, v14;
	v18 =	vadd.s32 v3, v55  }
0x183: {  	[tilespmem:s22], [sflag:$0x2] =	stream.indirect_vreg.gather [hbm4b:s8+s2], $0x80, v19, vm0, $0xb8;
	[tilespmem:$0xA280] =	vst v63  }
0x184: {  	s24 =	simm.s32 $0x6B00;
	v57 =	vperm.xlane v17, v15;
	v19 =	vadd.s32 v3, v56  }
0x185: {  	[tilespmem:s24], [sflag:$0x2] =	stream.indirect_vreg.gather [hbm4b:s8+s2], $0x80, v54, vm0, $0xb8;
	[tilespmem:$0xA280] =	vst v63  }
0x186: {  	s25 =	simm.s32 $0x6B80;
	v17 =	vperm.xlane v17, v16;
	v58 =	vadd.s32 v3, v57  }
0x187: {  	[tilespmem:s25], [sflag:$0x2] =	stream.indirect_vreg.gather [hbm4b:s8+s2], $0x80, v18, vm0, $0xb8;
	[tilespmem:$0xA280] =	vst v63  }
0x188: {  	s26 =	simm.s32 $0x6C00;
	v17 =	vadd.s32 v3, v17  }
0x189: {  	[tilespmem:s26], [sflag:$0x2] =	stream.indirect_vreg.gather [hbm4b:s8+s2], $0x80, v19, vm0, $0xb8;
	[tilespmem:$0xA280] =	vst v63  }
0x18a: {  	s1 =	simm.s32 $0x6C80  }
0x18b: {  	[tilespmem:s1], [sflag:$0x2] =	stream.indirect_vreg.gather [hbm4b:s8+s2], $0x80, v58, vm0, $0xb8;
	[tilespmem:$0xA280] =	vst v63  }
0x18c: {  	s6 =	simm.s32 $0x6D00  }
0x18d: {  	[tilespmem:s6], [sflag:$0x2] =	stream.indirect_vreg.gather [hbm4b:s8+s2], $0x80, v17, vm0, $0xb8;
	[tilespmem:$0xA280] =	vst v63  }
0x18e: {  	v17 =	vld [tilespmem:$0x90];
	_ =	sdelay $0x4  }
0x18f: {  	v18 =	vshrl.u32 v17, $0x3  }
0x190: {  	v18 =	vmul.u32 $0x1870, v18  }
0x191: {  	v17 =	vand.u32 $0x7, v17  }
0x192: {  	v17 =	vor.u32 v17, v18  }
0x193: {  	v18 =	vperm.xlane v17, v2;
	_ =	sdelay $0x1  }
0x194: {  	v19 =	vperm.xlane v17, v4;
	v18 =	vadd.s32 v3, v18;
	_ =	sdelay $0x1  }
0x195: {  	v59 =	vperm.xlane v17, v5;
	v19 =	vadd.s32 v3, v19;
	_ =	sdelay $0x1  }
0x196: {  	s9 =	simm.s32 $0x6D80;
	v60 =	vperm.xlane v17, v0;
	v20 =	vadd.s32 v3, v59  }
0x197: {  	[tilespmem:s9], [sflag:$0x2] =	stream.indirect_vreg.gather [hbm4b:s8+s2], $0x80, v18, vm0, $0xb8;
	[tilespmem:$0xA280] =	vst v63  }
0x198: {  	s10 =	simm.s32 $0x6E00;
	v61 =	vperm.xlane v17, v6;
	v18 =	vadd.s32 v3, v60  }
0x199: {  	[tilespmem:s10], [sflag:$0x2] =	stream.indirect_vreg.gather [hbm4b:s8+s2], $0x80, v19, vm0, $0xb8;
	[tilespmem:$0xA280] =	vst v63  }
0x19a: {  	s11 =	simm.s32 $0x6E80;
	v62 =	vperm.xlane v17, v7;
	v19 =	vadd.s32 v3, v61  }
0x19b: {  	[tilespmem:s11], [sflag:$0x2] =	stream.indirect_vreg.gather [hbm4b:s8+s2], $0x80, v20, vm0, $0xb8;
	[tilespmem:$0xA280] =	vst v63  }
0x19c: {  	s12 =	simm.s32 $0x6F00;
	v24 =	vperm.xlane v17, v8;
	v63 =	vadd.s32 v3, v62  }
0x19d: {  	[tilespmem:s12], [sflag:$0x2] =	stream.indirect_vreg.gather [hbm4b:s8+s2], $0x80, v18, vm0, $0xb8;
	[tilespmem:$0xA280] =	vst v63  }
0x19e: {  	s13 =	simm.s32 $0x6F80;
	v25 =	vperm.xlane v17, v1;
	v18 =	vadd.s32 v3, v24  }
0x19f: {  	[tilespmem:s13], [sflag:$0x2] =	stream.indirect_vreg.gather [hbm4b:s8+s2], $0x80, v19, vm0, $0xb8;
	[tilespmem:$0xA280] =	vst v63  }
0x1a0: {  	s14 =	simm.s32 $0x7000;
	v26 =	vperm.xlane v17, v9;
	v19 =	vadd.s32 v3, v25  }
0x1a1: {  	[tilespmem:s14], [sflag:$0x2] =	stream.indirect_vreg.gather [hbm4b:s8+s2], $0x80, v63, vm0, $0xb8;
	[tilespmem:$0xA280] =	vst v63  }
0x1a2: {  	s16 =	simm.s32 $0x7080;
	v28 =	vperm.xlane v17, v10;
	v27 =	vadd.s32 v3, v26  }
0x1a3: {  	[tilespmem:s16], [sflag:$0x2] =	stream.indirect_vreg.gather [hbm4b:s8+s2], $0x80, v18, vm0, $0xb8;
	[tilespmem:$0xA280] =	vst v63  }
0x1a4: {  	s17 =	simm.s32 $0x7100;
	v29 =	vperm.xlane v17, v11;
	v18 =	vadd.s32 v3, v28  }
0x1a5: {  	[tilespmem:s17], [sflag:$0x2] =	stream.indirect_vreg.gather [hbm4b:s8+s2], $0x80, v19, vm0, $0xb8;
	[tilespmem:$0xA280] =	vst v63  }
0x1a6: {  	s18 =	simm.s32 $0x7180;
	v30 =	vperm.xlane v17, v12;
	v19 =	vadd.s32 v3, v29  }
0x1a7: {  	[tilespmem:s18], [sflag:$0x2] =	stream.indirect_vreg.gather [hbm4b:s8+s2], $0x80, v27, vm0, $0xb8;
	[tilespmem:$0xA280] =	vst v63  }
0x1a8: {  	s19 =	simm.s32 $0x7200;
	v32 =	vperm.xlane v17, v13;
	v31 =	vadd.s32 v3, v30  }
0x1a9: {  	[tilespmem:s19], [sflag:$0x2] =	stream.indirect_vreg.gather [hbm4b:s8+s2], $0x80, v18, vm0, $0xb8;
	[tilespmem:$0xA280] =	vst v63  }
0x1aa: {  	s20 =	simm.s32 $0x7280;
	v33 =	vperm.xlane v17, v14;
	v18 =	vadd.s32 v3, v32  }
0x1ab: {  	[tilespmem:s20], [sflag:$0x2] =	stream.indirect_vreg.gather [hbm4b:s8+s2], $0x80, v19, vm0, $0xb8;
	[tilespmem:$0xA280] =	vst v63  }
0x1ac: {  	s21 =	simm.s32 $0x7300;
	v34 =	vperm.xlane v17, v15;
	v19 =	vadd.s32 v3, v33  }
0x1ad: {  	[tilespmem:s21], [sflag:$0x2] =	stream.indirect_vreg.gather [hbm4b:s8+s2], $0x80, v31, vm0, $0xb8;
	[tilespmem:$0xA280] =	vst v63  }
0x1ae: {  	s22 =	simm.s32 $0x7380;
	v17 =	vperm.xlane v17, v16;
	v35 =	vadd.s32 v3, v34  }
0x1af: {  	[tilespmem:s22], [sflag:$0x2] =	stream.indirect_vreg.gather [hbm4b:s8+s2], $0x80, v18, vm0, $0xb8;
	[tilespmem:$0xA280] =	vst v63  }
0x1b0: {  	s24 =	simm.s32 $0x7400;
	v17 =	vadd.s32 v3, v17  }
0x1b1: {  	[tilespmem:s24], [sflag:$0x2] =	stream.indirect_vreg.gather [hbm4b:s8+s2], $0x80, v19, vm0, $0xb8;
	[tilespmem:$0xA280] =	vst v63  }
0x1b2: {  	s25 =	simm.s32 $0x7480  }
0x1b3: {  	[tilespmem:s25], [sflag:$0x2] =	stream.indirect_vreg.gather [hbm4b:s8+s2], $0x80, v35, vm0, $0xb8;
	[tilespmem:$0xA280] =	vst v63  }
0x1b4: {  	s26 =	simm.s32 $0x7500  }
0x1b5: {  	[tilespmem:s26], [sflag:$0x2] =	stream.indirect_vreg.gather [hbm4b:s8+s2], $0x80, v17, vm0, $0xb8;
	[tilespmem:$0xA280] =	vst v63  }
0x1b6: {  	v17 =	vld [tilespmem:$0xA0];
	_ =	sdelay $0x4  }
0x1b7: {  	v18 =	vshrl.u32 v17, $0x3  }
0x1b8: {  	v18 =	vmul.u32 $0x1870, v18  }
0x1b9: {  	v17 =	vand.u32 $0x7, v17  }
0x1ba: {  	v17 =	vor.u32 v17, v18  }
0x1bb: {  	v18 =	vperm.xlane v17, v2;
	_ =	sdelay $0x1  }
0x1bc: {  	v19 =	vperm.xlane v17, v4;
	v18 =	vadd.s32 v3, v18;
	_ =	sdelay $0x1  }
0x1bd: {  	v36 =	vperm.xlane v17, v5;
	v19 =	vadd.s32 v3, v19;
	_ =	sdelay $0x1  }
0x1be: {  	s1 =	simm.s32 $0x7580;
	v37 =	vperm.xlane v17, v0;
	v20 =	vadd.s32 v3, v36  }
0x1bf: {  	[tilespmem:s1], [sflag:$0x2] =	stream.indirect_vreg.gather [hbm4b:s8+s2], $0x80, v18, vm0, $0xb8;
	[tilespmem:$0xA280] =	vst v63  }
0x1c0: {  	s6 =	simm.s32 $0x7600;
	v38 =	vperm.xlane v17, v6;
	v18 =	vadd.s32 v3, v37  }
0x1c1: {  	[tilespmem:s6], [sflag:$0x2] =	stream.indirect_vreg.gather [hbm4b:s8+s2], $0x80, v19, vm0, $0xb8;
	[tilespmem:$0xA280] =	vst v63  }
0x1c2: {  	s9 =	simm.s32 $0x7680;
	v39 =	vperm.xlane v17, v7;
	v19 =	vadd.s32 v3, v38  }
0x1c3: {  	[tilespmem:s9], [sflag:$0x2] =	stream.indirect_vreg.gather [hbm4b:s8+s2], $0x80, v20, vm0, $0xb8;
	[tilespmem:$0xA280] =	vst v63  }
0x1c4: {  	s10 =	simm.s32 $0x7700;
	v41 =	vperm.xlane v17, v8;
	v40 =	vadd.s32 v3, v39  }
0x1c5: {  	[tilespmem:s10], [sflag:$0x2] =	stream.indirect_vreg.gather [hbm4b:s8+s2], $0x80, v18, vm0, $0xb8;
	[tilespmem:$0xA280] =	vst v63  }
0x1c6: {  	s11 =	simm.s32 $0x7780;
	v42 =	vperm.xlane v17, v1;
	v18 =	vadd.s32 v3, v41  }
0x1c7: {  	[tilespmem:s11], [sflag:$0x2] =	stream.indirect_vreg.gather [hbm4b:s8+s2], $0x80, v19, vm0, $0xb8;
	[tilespmem:$0xA280] =	vst v63  }
0x1c8: {  	s12 =	simm.s32 $0x7800;
	v43 =	vperm.xlane v17, v9;
	v19 =	vadd.s32 v3, v42  }
0x1c9: {  	[tilespmem:s12], [sflag:$0x2] =	stream.indirect_vreg.gather [hbm4b:s8+s2], $0x80, v40, vm0, $0xb8;
	[tilespmem:$0xA280] =	vst v63  }
0x1ca: {  	s13 =	simm.s32 $0x7880;
	v45 =	vperm.xlane v17, v10;
	v44 =	vadd.s32 v3, v43  }
0x1cb: {  	[tilespmem:s13], [sflag:$0x2] =	stream.indirect_vreg.gather [hbm4b:s8+s2], $0x80, v18, vm0, $0xb8;
	[tilespmem:$0xA280] =	vst v63  }
0x1cc: {  	s14 =	simm.s32 $0x7900;
	v46 =	vperm.xlane v17, v11;
	v18 =	vadd.s32 v3, v45  }
0x1cd: {  	[tilespmem:s14], [sflag:$0x2] =	stream.indirect_vreg.gather [hbm4b:s8+s2], $0x80, v19, vm0, $0xb8;
	[tilespmem:$0xA280] =	vst v63  }
0x1ce: {  	s16 =	simm.s32 $0x7980;
	v47 =	vperm.xlane v17, v12;
	v19 =	vadd.s32 v3, v46  }
0x1cf: {  	[tilespmem:s16], [sflag:$0x2] =	stream.indirect_vreg.gather [hbm4b:s8+s2], $0x80, v44, vm0, $0xb8;
	[tilespmem:$0xA280] =	vst v63  }
0x1d0: {  	s17 =	simm.s32 $0x7A00;
	v49 =	vperm.xlane v17, v13;
	v48 =	vadd.s32 v3, v47  }
0x1d1: {  	[tilespmem:s17], [sflag:$0x2] =	stream.indirect_vreg.gather [hbm4b:s8+s2], $0x80, v18, vm0, $0xb8;
	[tilespmem:$0xA280] =	vst v63  }
0x1d2: {  	s18 =	simm.s32 $0x7A80;
	v50 =	vperm.xlane v17, v14;
	v18 =	vadd.s32 v3, v49  }
0x1d3: {  	[tilespmem:s18], [sflag:$0x2] =	stream.indirect_vreg.gather [hbm4b:s8+s2], $0x80, v19, vm0, $0xb8;
	[tilespmem:$0xA280] =	vst v63  }
0x1d4: {  	s19 =	simm.s32 $0x7B00;
	v51 =	vperm.xlane v17, v15;
	v19 =	vadd.s32 v3, v50  }
0x1d5: {  	[tilespmem:s19], [sflag:$0x2] =	stream.indirect_vreg.gather [hbm4b:s8+s2], $0x80, v48, vm0, $0xb8;
	[tilespmem:$0xA280] =	vst v63  }
0x1d6: {  	s20 =	simm.s32 $0x7B80;
	v17 =	vperm.xlane v17, v16;
	v52 =	vadd.s32 v3, v51  }
0x1d7: {  	[tilespmem:s20], [sflag:$0x2] =	stream.indirect_vreg.gather [hbm4b:s8+s2], $0x80, v18, vm0, $0xb8;
	[tilespmem:$0xA280] =	vst v63  }
0x1d8: {  	s21 =	simm.s32 $0x7C00;
	v17 =	vadd.s32 v3, v17  }
0x1d9: {  	[tilespmem:s21], [sflag:$0x2] =	stream.indirect_vreg.gather [hbm4b:s8+s2], $0x80, v19, vm0, $0xb8;
	[tilespmem:$0xA280] =	vst v63  }
0x1da: {  	s22 =	simm.s32 $0x7C80  }
0x1db: {  	[tilespmem:s22], [sflag:$0x2] =	stream.indirect_vreg.gather [hbm4b:s8+s2], $0x80, v52, vm0, $0xb8;
	[tilespmem:$0xA280] =	vst v63  }
0x1dc: {  	s24 =	simm.s32 $0x7D00  }
0x1dd: {  	[tilespmem:s24], [sflag:$0x2] =	stream.indirect_vreg.gather [hbm4b:s8+s2], $0x80, v17, vm0, $0xb8;
	[tilespmem:$0xA280] =	vst v63  }
0x1de: {  	v17 =	vld [tilespmem:$0xB0];
	_ =	sdelay $0x4  }
0x1df: {  	v18 =	vshrl.u32 v17, $0x3  }
0x1e0: {  	v18 =	vmul.u32 $0x1870, v18  }
0x1e1: {  	v17 =	vand.u32 $0x7, v17  }
0x1e2: {  	v17 =	vor.u32 v17, v18  }
0x1e3: {  	v18 =	vperm.xlane v17, v2;
	_ =	sdelay $0x1  }
0x1e4: {  	v19 =	vperm.xlane v17, v4;
	v18 =	vadd.s32 v3, v18;
	_ =	sdelay $0x1  }
0x1e5: {  	v53 =	vperm.xlane v17, v5;
	v19 =	vadd.s32 v3, v19;
	_ =	sdelay $0x1  }
0x1e6: {  	s25 =	simm.s32 $0x7D80;
	v54 =	vperm.xlane v17, v0;
	v20 =	vadd.s32 v3, v53  }
0x1e7: {  	[tilespmem:s25], [sflag:$0x2] =	stream.indirect_vreg.gather [hbm4b:s8+s2], $0x80, v18, vm0, $0xb8;
	[tilespmem:$0xA280] =	vst v63  }
0x1e8: {  	s26 =	simm.s32 $0x7E00;
	v55 =	vperm.xlane v17, v6;
	v18 =	vadd.s32 v3, v54  }
0x1e9: {  	[tilespmem:s26], [sflag:$0x2] =	stream.indirect_vreg.gather [hbm4b:s8+s2], $0x80, v19, vm0, $0xb8;
	[tilespmem:$0xA280] =	vst v63  }
0x1ea: {  	s1 =	simm.s32 $0x7E80;
	v56 =	vperm.xlane v17, v7;
	v19 =	vadd.s32 v3, v55  }
0x1eb: {  	[tilespmem:s1], [sflag:$0x2] =	stream.indirect_vreg.gather [hbm4b:s8+s2], $0x80, v20, vm0, $0xb8;
	[tilespmem:$0xA280] =	vst v63  }
0x1ec: {  	s6 =	simm.s32 $0x7F00;
	v58 =	vperm.xlane v17, v8;
	v57 =	vadd.s32 v3, v56  }
0x1ed: {  	[tilespmem:s6], [sflag:$0x2] =	stream.indirect_vreg.gather [hbm4b:s8+s2], $0x80, v18, vm0, $0xb8;
	[tilespmem:$0xA280] =	vst v63  }
0x1ee: {  	s9 =	simm.s32 $0x7F80;
	v59 =	vperm.xlane v17, v1;
	v18 =	vadd.s32 v3, v58  }
0x1ef: {  	[tilespmem:s9], [sflag:$0x2] =	stream.indirect_vreg.gather [hbm4b:s8+s2], $0x80, v19, vm0, $0xb8;
	[tilespmem:$0xA280] =	vst v63  }
0x1f0: {  	s10 =	simm.s32 $0x8000;
	v60 =	vperm.xlane v17, v9;
	v19 =	vadd.s32 v3, v59  }
0x1f1: {  	[tilespmem:s10], [sflag:$0x2] =	stream.indirect_vreg.gather [hbm4b:s8+s2], $0x80, v57, vm0, $0xb8;
	[tilespmem:$0xA280] =	vst v63  }
0x1f2: {  	s11 =	simm.s32 $0x8080;
	v62 =	vperm.xlane v17, v10;
	v61 =	vadd.s32 v3, v60  }
0x1f3: {  	[tilespmem:s11], [sflag:$0x2] =	stream.indirect_vreg.gather [hbm4b:s8+s2], $0x80, v18, vm0, $0xb8;
	[tilespmem:$0xA280] =	vst v63  }
0x1f4: {  	s12 =	simm.s32 $0x8100;
	v63 =	vperm.xlane v17, v11;
	v18 =	vadd.s32 v3, v62  }
0x1f5: {  	[tilespmem:s12], [sflag:$0x2] =	stream.indirect_vreg.gather [hbm4b:s8+s2], $0x80, v19, vm0, $0xb8;
	[tilespmem:$0xA280] =	vst v63  }
0x1f6: {  	s13 =	simm.s32 $0x8180;
	v24 =	vperm.xlane v17, v12;
	v19 =	vadd.s32 v3, v63  }
0x1f7: {  	[tilespmem:s13], [sflag:$0x2] =	stream.indirect_vreg.gather [hbm4b:s8+s2], $0x80, v61, vm0, $0xb8;
	[tilespmem:$0xA280] =	vst v63  }
0x1f8: {  	s14 =	simm.s32 $0x8200;
	v26 =	vperm.xlane v17, v13;
	v25 =	vadd.s32 v3, v24  }
0x1f9: {  	[tilespmem:s14], [sflag:$0x2] =	stream.indirect_vreg.gather [hbm4b:s8+s2], $0x80, v18, vm0, $0xb8;
	[tilespmem:$0xA280] =	vst v63  }
0x1fa: {  	s16 =	simm.s32 $0x8280;
	v27 =	vperm.xlane v17, v14;
	v18 =	vadd.s32 v3, v26  }
0x1fb: {  	[tilespmem:s16], [sflag:$0x2] =	stream.indirect_vreg.gather [hbm4b:s8+s2], $0x80, v19, vm0, $0xb8;
	[tilespmem:$0xA280] =	vst v63  }
0x1fc: {  	s17 =	simm.s32 $0x8300;
	v28 =	vperm.xlane v17, v15;
	v19 =	vadd.s32 v3, v27  }
0x1fd: {  	[tilespmem:s17], [sflag:$0x2] =	stream.indirect_vreg.gather [hbm4b:s8+s2], $0x80, v25, vm0, $0xb8;
	[tilespmem:$0xA280] =	vst v63  }
0x1fe: {  	s18 =	simm.s32 $0x8380;
	v17 =	vperm.xlane v17, v16;
	v29 =	vadd.s32 v3, v28  }
0x1ff: {  	[tilespmem:s18], [sflag:$0x2] =	stream.indirect_vreg.gather [hbm4b:s8+s2], $0x80, v18, vm0, $0xb8;
	[tilespmem:$0xA280] =	vst v63  }
0x200: {  	s19 =	simm.s32 $0x8400;
	v17 =	vadd.s32 v3, v17  }
0x201: {  	[tilespmem:s19], [sflag:$0x2] =	stream.indirect_vreg.gather [hbm4b:s8+s2], $0x80, v19, vm0, $0xb8;
	[tilespmem:$0xA280] =	vst v63  }
0x202: {  	s20 =	simm.s32 $0x8480  }
0x203: {  	[tilespmem:s20], [sflag:$0x2] =	stream.indirect_vreg.gather [hbm4b:s8+s2], $0x80, v29, vm0, $0xb8;
	[tilespmem:$0xA280] =	vst v63  }
0x204: {  	s21 =	simm.s32 $0x8500  }
0x205: {  	[tilespmem:s21], [sflag:$0x2] =	stream.indirect_vreg.gather [hbm4b:s8+s2], $0x80, v17, vm0, $0xb8;
	[tilespmem:$0xA280] =	vst v63  }
0x206: {  	v17 =	vld [tilespmem:$0xC0];
	_ =	sdelay $0x4  }
0x207: {  	v18 =	vshrl.u32 v17, $0x3  }
0x208: {  	v18 =	vmul.u32 $0x1870, v18  }
0x209: {  	v17 =	vand.u32 $0x7, v17  }
0x20a: {  	v17 =	vor.u32 v17, v18  }
0x20b: {  	v18 =	vperm.xlane v17, v2;
	_ =	sdelay $0x1  }
0x20c: {  	v19 =	vperm.xlane v17, v4;
	v18 =	vadd.s32 v3, v18;
	_ =	sdelay $0x1  }
0x20d: {  	v30 =	vperm.xlane v17, v5;
	v19 =	vadd.s32 v3, v19;
	_ =	sdelay $0x1  }
0x20e: {  	s22 =	simm.s32 $0x8580;
	v31 =	vperm.xlane v17, v0;
	v20 =	vadd.s32 v3, v30  }
0x20f: {  	[tilespmem:s22], [sflag:$0x2] =	stream.indirect_vreg.gather [hbm4b:s8+s2], $0x80, v18, vm0, $0xb8;
	[tilespmem:$0xA280] =	vst v63  }
0x210: {  	s24 =	simm.s32 $0x8600;
	v32 =	vperm.xlane v17, v6;
	v18 =	vadd.s32 v3, v31  }
0x211: {  	[tilespmem:s24], [sflag:$0x2] =	stream.indirect_vreg.gather [hbm4b:s8+s2], $0x80, v19, vm0, $0xb8;
	[tilespmem:$0xA280] =	vst v63  }
0x212: {  	s25 =	simm.s32 $0x8680;
	v33 =	vperm.xlane v17, v7;
	v19 =	vadd.s32 v3, v32  }
0x213: {  	[tilespmem:s25], [sflag:$0x2] =	stream.indirect_vreg.gather [hbm4b:s8+s2], $0x80, v20, vm0, $0xb8;
	[tilespmem:$0xA280] =	vst v63  }
0x214: {  	s26 =	simm.s32 $0x8700;
	v35 =	vperm.xlane v17, v8;
	v34 =	vadd.s32 v3, v33  }
0x215: {  	[tilespmem:s26], [sflag:$0x2] =	stream.indirect_vreg.gather [hbm4b:s8+s2], $0x80, v18, vm0, $0xb8;
	[tilespmem:$0xA280] =	vst v63  }
0x216: {  	s1 =	simm.s32 $0x8780;
	v36 =	vperm.xlane v17, v1;
	v18 =	vadd.s32 v3, v35  }
0x217: {  	[tilespmem:s1], [sflag:$0x2] =	stream.indirect_vreg.gather [hbm4b:s8+s2], $0x80, v19, vm0, $0xb8;
	[tilespmem:$0xA280] =	vst v63  }
0x218: {  	s6 =	simm.s32 $0x8800;
	v37 =	vperm.xlane v17, v9;
	v19 =	vadd.s32 v3, v36  }
0x219: {  	[tilespmem:s6], [sflag:$0x2] =	stream.indirect_vreg.gather [hbm4b:s8+s2], $0x80, v34, vm0, $0xb8;
	[tilespmem:$0xA280] =	vst v63  }
0x21a: {  	s9 =	simm.s32 $0x8880;
	v39 =	vperm.xlane v17, v10;
	v38 =	vadd.s32 v3, v37  }
0x21b: {  	[tilespmem:s9], [sflag:$0x2] =	stream.indirect_vreg.gather [hbm4b:s8+s2], $0x80, v18, vm0, $0xb8;
	[tilespmem:$0xA280] =	vst v63  }
0x21c: {  	s10 =	simm.s32 $0x8900;
	v40 =	vperm.xlane v17, v11;
	v18 =	vadd.s32 v3, v39  }
0x21d: {  	[tilespmem:s10], [sflag:$0x2] =	stream.indirect_vreg.gather [hbm4b:s8+s2], $0x80, v19, vm0, $0xb8;
	[tilespmem:$0xA280] =	vst v63  }
0x21e: {  	s11 =	simm.s32 $0x8980;
	v41 =	vperm.xlane v17, v12;
	v19 =	vadd.s32 v3, v40  }
0x21f: {  	[tilespmem:s11], [sflag:$0x2] =	stream.indirect_vreg.gather [hbm4b:s8+s2], $0x80, v38, vm0, $0xb8;
	[tilespmem:$0xA280] =	vst v63  }
0x220: {  	s12 =	simm.s32 $0x8A00;
	v43 =	vperm.xlane v17, v13;
	v42 =	vadd.s32 v3, v41  }
0x221: {  	[tilespmem:s12], [sflag:$0x2] =	stream.indirect_vreg.gather [hbm4b:s8+s2], $0x80, v18, vm0, $0xb8;
	[tilespmem:$0xA280] =	vst v63  }
0x222: {  	s13 =	simm.s32 $0x8A80;
	v44 =	vperm.xlane v17, v14;
	v18 =	vadd.s32 v3, v43  }
0x223: {  	[tilespmem:s13], [sflag:$0x2] =	stream.indirect_vreg.gather [hbm4b:s8+s2], $0x80, v19, vm0, $0xb8;
	[tilespmem:$0xA280] =	vst v63  }
0x224: {  	s14 =	simm.s32 $0x8B00;
	v45 =	vperm.xlane v17, v15;
	v19 =	vadd.s32 v3, v44  }
0x225: {  	[tilespmem:s14], [sflag:$0x2] =	stream.indirect_vreg.gather [hbm4b:s8+s2], $0x80, v42, vm0, $0xb8;
	[tilespmem:$0xA280] =	vst v63  }
0x226: {  	s16 =	simm.s32 $0x8B80;
	v17 =	vperm.xlane v17, v16;
	v46 =	vadd.s32 v3, v45  }
0x227: {  	[tilespmem:s16], [sflag:$0x2] =	stream.indirect_vreg.gather [hbm4b:s8+s2], $0x80, v18, vm0, $0xb8;
	[tilespmem:$0xA280] =	vst v63  }
0x228: {  	s17 =	simm.s32 $0x8C00;
	v17 =	vadd.s32 v3, v17  }
0x229: {  	[tilespmem:s17], [sflag:$0x2] =	stream.indirect_vreg.gather [hbm4b:s8+s2], $0x80, v19, vm0, $0xb8;
	[tilespmem:$0xA280] =	vst v63  }
0x22a: {  	s18 =	simm.s32 $0x8C80  }
0x22b: {  	[tilespmem:s18], [sflag:$0x2] =	stream.indirect_vreg.gather [hbm4b:s8+s2], $0x80, v46, vm0, $0xb8;
	[tilespmem:$0xA280] =	vst v63  }
0x22c: {  	s19 =	simm.s32 $0x8D00  }
0x22d: {  	[tilespmem:s19], [sflag:$0x2] =	stream.indirect_vreg.gather [hbm4b:s8+s2], $0x80, v17, vm0, $0xb8;
	[tilespmem:$0xA280] =	vst v63  }
0x22e: {  	v17 =	vld [tilespmem:$0xD0];
	_ =	sdelay $0x4  }
0x22f: {  	v18 =	vshrl.u32 v17, $0x3  }
0x230: {  	v18 =	vmul.u32 $0x1870, v18  }
0x231: {  	v17 =	vand.u32 $0x7, v17  }
0x232: {  	v17 =	vor.u32 v17, v18  }
0x233: {  	v18 =	vperm.xlane v17, v2;
	_ =	sdelay $0x1  }
0x234: {  	v19 =	vperm.xlane v17, v4;
	v18 =	vadd.s32 v3, v18;
	_ =	sdelay $0x1  }
0x235: {  	v47 =	vperm.xlane v17, v5;
	v19 =	vadd.s32 v3, v19;
	_ =	sdelay $0x1  }
0x236: {  	s20 =	simm.s32 $0x8D80;
	v48 =	vperm.xlane v17, v0;
	v20 =	vadd.s32 v3, v47  }
0x237: {  	[tilespmem:s20], [sflag:$0x2] =	stream.indirect_vreg.gather [hbm4b:s8+s2], $0x80, v18, vm0, $0xb8;
	[tilespmem:$0xA280] =	vst v63  }
0x238: {  	s21 =	simm.s32 $0x8E00;
	v49 =	vperm.xlane v17, v6;
	v18 =	vadd.s32 v3, v48  }
0x239: {  	[tilespmem:s21], [sflag:$0x2] =	stream.indirect_vreg.gather [hbm4b:s8+s2], $0x80, v19, vm0, $0xb8;
	[tilespmem:$0xA280] =	vst v63  }
0x23a: {  	s22 =	simm.s32 $0x8E80;
	v50 =	vperm.xlane v17, v7;
	v19 =	vadd.s32 v3, v49  }
0x23b: {  	[tilespmem:s22], [sflag:$0x2] =	stream.indirect_vreg.gather [hbm4b:s8+s2], $0x80, v20, vm0, $0xb8;
	[tilespmem:$0xA280] =	vst v63  }
0x23c: {  	s24 =	simm.s32 $0x8F00;
	v52 =	vperm.xlane v17, v8;
	v51 =	vadd.s32 v3, v50  }
0x23d: {  	[tilespmem:s24], [sflag:$0x2] =	stream.indirect_vreg.gather [hbm4b:s8+s2], $0x80, v18, vm0, $0xb8;
	[tilespmem:$0xA280] =	vst v63  }
0x23e: {  	s25 =	simm.s32 $0x8F80;
	v53 =	vperm.xlane v17, v1;
	v18 =	vadd.s32 v3, v52  }
0x23f: {  	[tilespmem:s25], [sflag:$0x2] =	stream.indirect_vreg.gather [hbm4b:s8+s2], $0x80, v19, vm0, $0xb8;
	[tilespmem:$0xA280] =	vst v63  }
0x240: {  	s26 =	simm.s32 $0x9000;
	v54 =	vperm.xlane v17, v9;
	v19 =	vadd.s32 v3, v53  }
0x241: {  	[tilespmem:s26], [sflag:$0x2] =	stream.indirect_vreg.gather [hbm4b:s8+s2], $0x80, v51, vm0, $0xb8;
	[tilespmem:$0xA280] =	vst v63  }
0x242: {  	v56 =	vperm.xlane v17, v10;
	v55 =	vadd.s32 v3, v54;
	s22 =	simm.s32 $0x9080  }
0x243: {  	[tilespmem:s22], [sflag:$0x2] =	stream.indirect_vreg.gather [hbm4b:s8+s2], $0x80, v18, vm0, $0xb8;
	[tilespmem:$0xA280] =	vst v63  }
0x244: {  	s28 =	simm.s32 $0x9100;
	v57 =	vperm.xlane v17, v11;
	v18 =	vadd.s32 v3, v56  }
0x245: {  	[tilespmem:s28], [sflag:$0x2] =	stream.indirect_vreg.gather [hbm4b:s8+s2], $0x80, v19, vm0, $0xb8;
	[tilespmem:$0xA280] =	vst v63  }
0x246: {  	s16 =	simm.s32 $0x9180;
	v58 =	vperm.xlane v17, v12;
	v19 =	vadd.s32 v3, v57  }
0x247: {  	[tilespmem:s16], [sflag:$0x2] =	stream.indirect_vreg.gather [hbm4b:s8+s2], $0x80, v55, vm0, $0xb8;
	[tilespmem:$0xA280] =	vst v63  }
0x248: {  	v60 =	vperm.xlane v17, v13;
	v59 =	vadd.s32 v3, v58;
	s20 =	simm.s32 $0x9200  }
0x249: {  	[tilespmem:s20], [sflag:$0x2] =	stream.indirect_vreg.gather [hbm4b:s8+s2], $0x80, v18, vm0, $0xb8;
	[tilespmem:$0xA280] =	vst v63  }
0x24a: {  	v61 =	vperm.xlane v17, v14;
	s25 =	simm.s32 $0x9280;
	v18 =	vadd.s32 v3, v60  }
0x24b: {  	[tilespmem:s25], [sflag:$0x2] =	stream.indirect_vreg.gather [hbm4b:s8+s2], $0x80, v19, vm0, $0xb8;
	[tilespmem:$0xA280] =	vst v63  }
0x24c: {  	s29 =	simm.s32 $0x2B80;
	s0 =	simm.s32 $0x2F00;
	s30 =	simm.s32 $0x9300;
	v62 =	vperm.xlane v17, v15;
	v19 =	vadd.s32 v3, v61  }
0x24d: {  	[tilespmem:s30], [sflag:$0x2] =	stream.indirect_vreg.gather [hbm4b:s8+s2], $0x80, v59, vm0, $0xb8;
	[tilespmem:$0xA280] =	vst v63  }
0x24e: {  	s31 =	simm.s32 $0x2C80;
	s1 =	simm.s32 $0x9380;
	s6 =	simm.s32 $0x1B0;
	v17 =	vperm.xlane v17, v16;
	v63 =	vadd.s32 v3, v62  }
0x24f: {  	[tilespmem:s1], [sflag:$0x2] =	stream.indirect_vreg.gather [hbm4b:s8+s2], $0x80, v18, vm0, $0xb8;
	[tilespmem:$0xA280] =	vst v63  }
0x250: {  	s9 =	rddreg [dreg:$0x7];
	s10 =	simm.s32 $0x0;
	s17 =	simm.s32 $0x9400;
	v17 =	vadd.s32 v3, v17  }
0x251: {  	[tilespmem:s17], [sflag:$0x2] =	stream.indirect_vreg.gather [hbm4b:s8+s2], $0x80, v19, vm0, $0xb8;
	[tilespmem:$0xA280] =	vst v63  }
0x252: {  	s13 =	simm.s32 $0x9480;
	s18 =	simm.s32 $0x2F80;
	s19 =	simm.s32 $0x9500  }
0x253: {  	[tilespmem:s13], [sflag:$0x2] =	stream.indirect_vreg.gather [hbm4b:s8+s2], $0x80, v63, vm0, $0xb8;
	[tilespmem:$0xA280] =	vst v63  }
0x254: {  	s21 =	simm.s32 $0x2880;
	s24 =	simm.s32 $0x2980;
	s26 =	simm.s32 $0x2A80  }
0x255: {  	[tilespmem:s19], [sflag:$0x2] =	stream.indirect_vreg.gather [hbm4b:s8+s2], $0x80, v17, vm0, $0xb8;
	[tilespmem:$0xA280] =	vst v63  }
.LBB2_2:
0x256: {  	_ =	swait.ge [sflag:s4], $0x3800  }
0x257: {  	[sflag:s4] =	ssyncset.done $0x0  }
0x258: {  	s11 =	sshra.s32 s10, $0x2;
	[sflag:s4] =	ssyncadd.s32 $0xFFFFC800  }
0x259: {  	v17 =	vld [tilespmem:s11+$0xB80]  }
0x25a: {  	v18 =	vld [tilespmem:s11+$0x1880];
	_ =	sdelay $0x4  }
0x25b: {  	v20 =	vld [tilespmem:s11+$0xB90];
	v19 =	vand.u32 $0xFFFFFF80, v18;
	v17 =	vshll.u32 v17, $0x7  }
0x25c: {  	v18 =	vand.u32 $0x7F, v18;
	v17 =	vadd.s32 v17, v19;
	v19 =	vld [tilespmem:s11+$0x1890]  }
0x25d: {  	v17 =	vor.u32 v18, v17;
	_ =	sdelay $0x3  }
0x25e: {  	v48 =	vld [tilespmem:s11+$0x18A0];
	v20 =	vshll.u32 v20, $0x7;
	v18 =	vand.u32 $0xFFFFFF80, v19  }
0x25f: {  	v19 =	vand.u32 $0x7F, v19;
	v17 =	vld.idx.msk [tilespmem:v17+s15+$0x0], $0xffff;
	v18 =	vadd.s32 v20, v18  }
0x260: {  	v18 =	vor.u32 v19, v18;
	v19 =	vld [tilespmem:s11+$0xBA0];
	_ =	sdelay $0x3  }
0x261: {  	v21 =	vld [tilespmem:s11+$0xBB0];
	[tilespmem:s11+$0x9580] =	vst v17  }
0x262: {  	v17 =	vld.idx.msk [tilespmem:v18+s15+$0x0], $0xffff;
	v18 =	vand.u32 $0xFFFFFF80, v48;
	v19 =	vshll.u32 v19, $0x7  }
0x263: {  	v20 =	vand.u32 $0x7F, v48;
	v18 =	vadd.s32 v19, v18;
	v19 =	vld [tilespmem:s11+$0x18B0]  }
0x264: {  	v18 =	vor.u32 v20, v18;
	_ =	sdelay $0x3  }
0x265: {  	v50 =	vld [tilespmem:s11+$0x18C0];
	v49 =	vshll.u32 v21, $0x7;
	[tilespmem:s11+$0x9590] =	vst v17;
	v17 =	vand.u32 $0xFFFFFF80, v19  }
0x266: {  	v19 =	vand.u32 $0x7F, v19;
	v18 =	vld.idx.msk [tilespmem:v18+s15+$0x0], $0xffff;
	v17 =	vadd.s32 v49, v17  }
0x267: {  	v17 =	vor.u32 v19, v17;
	v19 =	vld [tilespmem:s11+$0xBC0];
	_ =	sdelay $0x3  }
0x268: {  	v51 =	vld [tilespmem:s11+$0xBD0];
	[tilespmem:s11+$0x95A0] =	vst v18  }
0x269: {  	v18 =	vand.u32 $0xFFFFFF80, v50;
	v17 =	vld.idx.msk [tilespmem:v17+s15+$0x0], $0xffff;
	v19 =	vshll.u32 v19, $0x7  }
0x26a: {  	v20 =	vand.u32 $0x7F, v50;
	v18 =	vadd.s32 v19, v18;
	v19 =	vld [tilespmem:s11+$0x18D0]  }
0x26b: {  	v18 =	vor.u32 v20, v18;
	_ =	sdelay $0x3  }
0x26c: {  	v53 =	vld [tilespmem:s11+$0x18E0];
	v52 =	vshll.u32 v51, $0x7;
	[tilespmem:s11+$0x95B0] =	vst v17;
	v17 =	vand.u32 $0xFFFFFF80, v19  }
0x26d: {  	v19 =	vand.u32 $0x7F, v19;
	v18 =	vld.idx.msk [tilespmem:v18+s15+$0x0], $0xffff;
	v17 =	vadd.s32 v52, v17  }
0x26e: {  	v17 =	vor.u32 v19, v17;
	v19 =	vld [tilespmem:s11+$0xBE0];
	_ =	sdelay $0x3  }
0x26f: {  	v54 =	vld [tilespmem:s11+$0xBF0];
	[tilespmem:s11+$0x95C0] =	vst v18  }
0x270: {  	v18 =	vand.u32 $0xFFFFFF80, v53;
	v17 =	vld.idx.msk [tilespmem:v17+s15+$0x0], $0xffff;
	v19 =	vshll.u32 v19, $0x7  }
0x271: {  	v20 =	vand.u32 $0x7F, v53;
	v18 =	vadd.s32 v19, v18;
	v19 =	vld [tilespmem:s11+$0x18F0]  }
0x272: {  	v18 =	vor.u32 v20, v18;
	_ =	sdelay $0x3  }
0x273: {  	v55 =	vshll.u32 v54, $0x7;
	[tilespmem:s11+$0x95D0] =	vst v17;
	v17 =	vand.u32 $0xFFFFFF80, v19  }
0x274: {  	v19 =	vand.u32 $0x7F, v19;
	v18 =	vld.idx.msk [tilespmem:v18+s15+$0x0], $0xffff;
	v17 =	vadd.s32 v55, v17  }
0x275: {  	v17 =	vor.u32 v19, v17;
	_ =	sdelay $0x3  }
0x276: {  	[tilespmem:s11+$0x95E0] =	vst v18  }
0x277: {  	v17 =	vld.idx.msk [tilespmem:v17+s15+$0x0], $0xffff;
	_ =	sdelay $0x4  }
0x278: {  	[tilespmem:s11+$0x95F0] =	vst v17  }
0x279: {  	v17 =	vld [tilespmem:s6+$0xFFFFFF30];
	_ =	sdelay $0x4  }
0x27a: {  	v18 =	vshrl.u32 v17, $0x3  }
0x27b: {  	v18 =	vmul.u32 $0x1870, v18  }
0x27c: {  	v17 =	vand.u32 $0x7, v17  }
0x27d: {  	v17 =	vor.u32 v17, v18  }
0x27e: {  	v18 =	vperm.xlane v17, v2;
	_ =	sdelay $0x1  }
0x27f: {  	s12 =	sadd.s32 $0xFFFFFFFF, s9;
	v19 =	vperm.xlane v17, v4;
	v18 =	vadd.s32 v3, v18  }
0x280: {  	p0 =	slt.s32 s12, $0x30C  }
0x281: {  	s12 =	simm.s32 @!p0 $0x30C;
	v56 =	vperm.xlane v17, v5;
	v19 =	vadd.s32 v3, v19  }
0x282: {  	s12 =	sshll.u32 s12, $0x7  }
0x283: {  	s12 =	sadd.s32 s3, s12;
	v57 =	vperm.xlane v17, v0;
	v20 =	vadd.s32 v3, v56  }
0x284: {  	[tilespmem:s15], [sflag:$0x1] =	stream.indirect_vreg.gather [hbm4b:s12+s2], $0x80, v18, vm0, $0xb8;
	[tilespmem:$0xA280] =	vst v63  }
0x285: {  	s14 =	simm.s32 $0x2600;
	v58 =	vperm.xlane v17, v6;
	v18 =	vadd.s32 v3, v57  }
0x286: {  	[tilespmem:s14], [sflag:$0x1] =	stream.indirect_vreg.gather [hbm4b:s12+s2], $0x80, v19, vm0, $0xb8;
	[tilespmem:$0xA280] =	vst v63  }
0x287: {  	v59 =	vperm.xlane v17, v7;
	v19 =	vadd.s32 v3, v58;
	s14 =	simm.s32 $0x2680  }
0x288: {  	[tilespmem:s14], [sflag:$0x1] =	stream.indirect_vreg.gather [hbm4b:s12+s2], $0x80, v20, vm0, $0xb8;
	[tilespmem:$0xA280] =	vst v63  }
0x289: {  	v61 =	vperm.xlane v17, v8;
	v60 =	vadd.s32 v3, v59;
	s14 =	simm.s32 $0x2700  }
0x28a: {  	[tilespmem:s14], [sflag:$0x1] =	stream.indirect_vreg.gather [hbm4b:s12+s2], $0x80, v18, vm0, $0xb8;
	[tilespmem:$0xA280] =	vst v63  }
0x28b: {  	v62 =	vperm.xlane v17, v1;
	v18 =	vadd.s32 v3, v61;
	s14 =	simm.s32 $0x2780  }
0x28c: {  	[tilespmem:s14], [sflag:$0x1] =	stream.indirect_vreg.gather [hbm4b:s12+s2], $0x80, v19, vm0, $0xb8;
	[tilespmem:$0xA280] =	vst v63  }
0x28d: {  	v63 =	vperm.xlane v17, v9;
	v19 =	vadd.s32 v3, v62;
	s14 =	simm.s32 $0x2800  }
0x28e: {  	[tilespmem:s14], [sflag:$0x1] =	stream.indirect_vreg.gather [hbm4b:s12+s2], $0x80, v60, vm0, $0xb8;
	[tilespmem:$0xA280] =	vst v63  }
0x28f: {  	v25 =	vperm.xlane v17, v10;
	v24 =	vadd.s32 v3, v63  }
0x290: {  	[tilespmem:s21], [sflag:$0x1] =	stream.indirect_vreg.gather [hbm4b:s12+s2], $0x80, v18, vm0, $0xb8;
	[tilespmem:$0xA280] =	vst v63  }
0x291: {  	v26 =	vperm.xlane v17, v11;
	s14 =	simm.s32 $0x2900;
	v18 =	vadd.s32 v3, v25  }
0x292: {  	[tilespmem:s14], [sflag:$0x1] =	stream.indirect_vreg.gather [hbm4b:s12+s2], $0x80, v19, vm0, $0xb8;
	[tilespmem:$0xA280] =	vst v63  }
0x293: {  	v27 =	vperm.xlane v17, v12;
	v19 =	vadd.s32 v3, v26  }
0x294: {  	[tilespmem:s24], [sflag:$0x1] =	stream.indirect_vreg.gather [hbm4b:s12+s2], $0x80, v24, vm0, $0xb8;
	[tilespmem:$0xA280] =	vst v63  }
0x295: {  	v29 =	vperm.xlane v17, v13;
	v28 =	vadd.s32 v3, v27;
	s14 =	simm.s32 $0x2A00  }
0x296: {  	[tilespmem:s14], [sflag:$0x1] =	stream.indirect_vreg.gather [hbm4b:s12+s2], $0x80, v18, vm0, $0xb8;
	[tilespmem:$0xA280] =	vst v63  }
0x297: {  	v30 =	vperm.xlane v17, v14;
	v18 =	vadd.s32 v3, v29  }
0x298: {  	[tilespmem:s26], [sflag:$0x1] =	stream.indirect_vreg.gather [hbm4b:s12+s2], $0x80, v19, vm0, $0xb8;
	[tilespmem:$0xA280] =	vst v63  }
0x299: {  	v31 =	vperm.xlane v17, v15;
	s14 =	simm.s32 $0x2B00;
	v19 =	vadd.s32 v3, v30  }
0x29a: {  	[tilespmem:s14], [sflag:$0x1] =	stream.indirect_vreg.gather [hbm4b:s12+s2], $0x80, v28, vm0, $0xb8;
	[tilespmem:$0xA280] =	vst v63  }
0x29b: {  	v17 =	vperm.xlane v17, v16;
	v32 =	vadd.s32 v3, v31  }
0x29c: {  	[tilespmem:s29], [sflag:$0x1] =	stream.indirect_vreg.gather [hbm4b:s12+s2], $0x80, v18, vm0, $0xb8;
	[tilespmem:$0xA280] =	vst v63  }
0x29d: {  	v17 =	vadd.s32 v3, v17;
	s14 =	simm.s32 $0x2C00  }
0x29e: {  	[tilespmem:s14], [sflag:$0x1] =	stream.indirect_vreg.gather [hbm4b:s12+s2], $0x80, v19, vm0, $0xb8;
	[tilespmem:$0xA280] =	vst v63  }
0x29f: {  	_ = 	snop  }
0x2a0: {  	[tilespmem:s31], [sflag:$0x1] =	stream.indirect_vreg.gather [hbm4b:s12+s2], $0x80, v32, vm0, $0xb8;
	[tilespmem:$0xA280] =	vst v63  }
0x2a1: {  	s14 =	simm.s32 $0x2D00  }
0x2a2: {  	[tilespmem:s14], [sflag:$0x1] =	stream.indirect_vreg.gather [hbm4b:s12+s2], $0x80, v17, vm0, $0xb8;
	[tilespmem:$0xA280] =	vst v63  }
0x2a3: {  	v17 =	vld [tilespmem:s6+$0xFFFFFF40];
	_ =	sdelay $0x4  }
0x2a4: {  	v18 =	vshrl.u32 v17, $0x3  }
0x2a5: {  	v18 =	vmul.u32 $0x1870, v18  }
0x2a6: {  	v17 =	vand.u32 $0x7, v17  }
0x2a7: {  	v17 =	vor.u32 v17, v18  }
0x2a8: {  	v18 =	vperm.xlane v17, v2;
	_ =	sdelay $0x1  }
0x2a9: {  	v19 =	vperm.xlane v17, v4;
	v18 =	vadd.s32 v3, v18;
	_ =	sdelay $0x1  }
0x2aa: {  	v33 =	vperm.xlane v17, v5;
	v19 =	vadd.s32 v3, v19;
	_ =	sdelay $0x1  }
0x2ab: {  	s14 =	simm.s32 $0x2D80;
	v34 =	vperm.xlane v17, v0;
	v20 =	vadd.s32 v3, v33  }
0x2ac: {  	[tilespmem:s14], [sflag:$0x1] =	stream.indirect_vreg.gather [hbm4b:s12+s2], $0x80, v18, vm0, $0xb8;
	[tilespmem:$0xA280] =	vst v63  }
0x2ad: {  	v35 =	vperm.xlane v17, v6;
	v18 =	vadd.s32 v3, v34;
	s14 =	simm.s32 $0x2E00  }
0x2ae: {  	[tilespmem:s14], [sflag:$0x1] =	stream.indirect_vreg.gather [hbm4b:s12+s2], $0x80, v19, vm0, $0xb8;
	[tilespmem:$0xA280] =	vst v63  }
0x2af: {  	v36 =	vperm.xlane v17, v7;
	v19 =	vadd.s32 v3, v35;
	s14 =	simm.s32 $0x2E80  }
0x2b0: {  	[tilespmem:s14], [sflag:$0x1] =	stream.indirect_vreg.gather [hbm4b:s12+s2], $0x80, v20, vm0, $0xb8;
	[tilespmem:$0xA280] =	vst v63  }
0x2b1: {  	v38 =	vperm.xlane v17, v8;
	v37 =	vadd.s32 v3, v36  }
0x2b2: {  	[tilespmem:s0], [sflag:$0x1] =	stream.indirect_vreg.gather [hbm4b:s12+s2], $0x80, v18, vm0, $0xb8;
	[tilespmem:$0xA280] =	vst v63  }
0x2b3: {  	v39 =	vperm.xlane v17, v1;
	v18 =	vadd.s32 v3, v38  }
0x2b4: {  	[tilespmem:s18], [sflag:$0x1] =	stream.indirect_vreg.gather [hbm4b:s12+s2], $0x80, v19, vm0, $0xb8;
	[tilespmem:$0xA280] =	vst v63  }
0x2b5: {  	v40 =	vperm.xlane v17, v9;
	s14 =	simm.s32 $0x3000;
	v19 =	vadd.s32 v3, v39  }
0x2b6: {  	[tilespmem:s14], [sflag:$0x1] =	stream.indirect_vreg.gather [hbm4b:s12+s2], $0x80, v37, vm0, $0xb8;
	[tilespmem:$0xA280] =	vst v63  }
0x2b7: {  	v42 =	vperm.xlane v17, v10;
	v41 =	vadd.s32 v3, v40;
	s14 =	simm.s32 $0x3080  }
0x2b8: {  	[tilespmem:s14], [sflag:$0x1] =	stream.indirect_vreg.gather [hbm4b:s12+s2], $0x80, v18, vm0, $0xb8;
	[tilespmem:$0xA280] =	vst v63  }
0x2b9: {  	v43 =	vperm.xlane v17, v11;
	v18 =	vadd.s32 v3, v42;
	s14 =	simm.s32 $0x3100  }
0x2ba: {  	[tilespmem:s14], [sflag:$0x1] =	stream.indirect_vreg.gather [hbm4b:s12+s2], $0x80, v19, vm0, $0xb8;
	[tilespmem:$0xA280] =	vst v63  }
0x2bb: {  	v44 =	vperm.xlane v17, v12;
	v19 =	vadd.s32 v3, v43;
	s14 =	simm.s32 $0x3180  }
0x2bc: {  	[tilespmem:s14], [sflag:$0x1] =	stream.indirect_vreg.gather [hbm4b:s12+s2], $0x80, v41, vm0, $0xb8;
	[tilespmem:$0xA280] =	vst v63  }
0x2bd: {  	v46 =	vperm.xlane v17, v13;
	v45 =	vadd.s32 v3, v44;
	s14 =	simm.s32 $0x3200  }
0x2be: {  	[tilespmem:s14], [sflag:$0x1] =	stream.indirect_vreg.gather [hbm4b:s12+s2], $0x80, v18, vm0, $0xb8;
	[tilespmem:$0xA280] =	vst v63  }
0x2bf: {  	v47 =	vperm.xlane v17, v14;
	v18 =	vadd.s32 v3, v46;
	s14 =	simm.s32 $0x3280  }
0x2c0: {  	[tilespmem:s14], [sflag:$0x1] =	stream.indirect_vreg.gather [hbm4b:s12+s2], $0x80, v19, vm0, $0xb8;
	[tilespmem:$0xA280] =	vst v63  }
0x2c1: {  	v48 =	vperm.xlane v17, v15;
	v19 =	vadd.s32 v3, v47;
	s14 =	simm.s32 $0x3300  }
0x2c2: {  	[tilespmem:s14], [sflag:$0x1] =	stream.indirect_vreg.gather [hbm4b:s12+s2], $0x80, v45, vm0, $0xb8;
	[tilespmem:$0xA280] =	vst v63  }
0x2c3: {  	v17 =	vperm.xlane v17, v16;
	v49 =	vadd.s32 v3, v48;
	s14 =	simm.s32 $0x3380  }
0x2c4: {  	[tilespmem:s14], [sflag:$0x1] =	stream.indirect_vreg.gather [hbm4b:s12+s2], $0x80, v18, vm0, $0xb8;
	[tilespmem:$0xA280] =	vst v63  }
0x2c5: {  	v17 =	vadd.s32 v3, v17;
	s14 =	simm.s32 $0x3400  }
0x2c6: {  	[tilespmem:s14], [sflag:$0x1] =	stream.indirect_vreg.gather [hbm4b:s12+s2], $0x80, v19, vm0, $0xb8;
	[tilespmem:$0xA280] =	vst v63  }
0x2c7: {  	s14 =	simm.s32 $0x3480  }
0x2c8: {  	[tilespmem:s14], [sflag:$0x1] =	stream.indirect_vreg.gather [hbm4b:s12+s2], $0x80, v49, vm0, $0xb8;
	[tilespmem:$0xA280] =	vst v63  }
0x2c9: {  	s14 =	simm.s32 $0x3500  }
0x2ca: {  	[tilespmem:s14], [sflag:$0x1] =	stream.indirect_vreg.gather [hbm4b:s12+s2], $0x80, v17, vm0, $0xb8;
	[tilespmem:$0xA280] =	vst v63  }
0x2cb: {  	v17 =	vld [tilespmem:s6+$0xFFFFFF50];
	_ =	sdelay $0x4  }
0x2cc: {  	v18 =	vshrl.u32 v17, $0x3  }
0x2cd: {  	v18 =	vmul.u32 $0x1870, v18  }
0x2ce: {  	v17 =	vand.u32 $0x7, v17  }
0x2cf: {  	v17 =	vor.u32 v17, v18  }
0x2d0: {  	v18 =	vperm.xlane v17, v2;
	_ =	sdelay $0x1  }
0x2d1: {  	v19 =	vperm.xlane v17, v4;
	v18 =	vadd.s32 v3, v18;
	_ =	sdelay $0x1  }
0x2d2: {  	v50 =	vperm.xlane v17, v5;
	v19 =	vadd.s32 v3, v19;
	_ =	sdelay $0x1  }
0x2d3: {  	s14 =	simm.s32 $0x3580;
	v51 =	vperm.xlane v17, v0;
	v20 =	vadd.s32 v3, v50  }
0x2d4: {  	[tilespmem:s14], [sflag:$0x1] =	stream.indirect_vreg.gather [hbm4b:s12+s2], $0x80, v18, vm0, $0xb8;
	[tilespmem:$0xA280] =	vst v63  }
0x2d5: {  	v52 =	vperm.xlane v17, v6;
	v18 =	vadd.s32 v3, v51;
	s14 =	simm.s32 $0x3600  }
0x2d6: {  	[tilespmem:s14], [sflag:$0x1] =	stream.indirect_vreg.gather [hbm4b:s12+s2], $0x80, v19, vm0, $0xb8;
	[tilespmem:$0xA280] =	vst v63  }
0x2d7: {  	v53 =	vperm.xlane v17, v7;
	v19 =	vadd.s32 v3, v52;
	s14 =	simm.s32 $0x3680  }
0x2d8: {  	[tilespmem:s14], [sflag:$0x1] =	stream.indirect_vreg.gather [hbm4b:s12+s2], $0x80, v20, vm0, $0xb8;
	[tilespmem:$0xA280] =	vst v63  }
0x2d9: {  	v55 =	vperm.xlane v17, v8;
	v54 =	vadd.s32 v3, v53;
	s14 =	simm.s32 $0x3700  }
0x2da: {  	[tilespmem:s14], [sflag:$0x1] =	stream.indirect_vreg.gather [hbm4b:s12+s2], $0x80, v18, vm0, $0xb8;
	[tilespmem:$0xA280] =	vst v63  }
0x2db: {  	v56 =	vperm.xlane v17, v1;
	v18 =	vadd.s32 v3, v55;
	s14 =	simm.s32 $0x3780  }
0x2dc: {  	[tilespmem:s14], [sflag:$0x1] =	stream.indirect_vreg.gather [hbm4b:s12+s2], $0x80, v19, vm0, $0xb8;
	[tilespmem:$0xA280] =	vst v63  }
0x2dd: {  	v57 =	vperm.xlane v17, v9;
	v19 =	vadd.s32 v3, v56;
	s14 =	simm.s32 $0x3800  }
0x2de: {  	[tilespmem:s14], [sflag:$0x1] =	stream.indirect_vreg.gather [hbm4b:s12+s2], $0x80, v54, vm0, $0xb8;
	[tilespmem:$0xA280] =	vst v63  }
0x2df: {  	v59 =	vperm.xlane v17, v10;
	v58 =	vadd.s32 v3, v57;
	s14 =	simm.s32 $0x3880  }
0x2e0: {  	[tilespmem:s14], [sflag:$0x1] =	stream.indirect_vreg.gather [hbm4b:s12+s2], $0x80, v18, vm0, $0xb8;
	[tilespmem:$0xA280] =	vst v63  }
0x2e1: {  	v60 =	vperm.xlane v17, v11;
	v18 =	vadd.s32 v3, v59;
	s14 =	simm.s32 $0x3900  }
0x2e2: {  	[tilespmem:s14], [sflag:$0x1] =	stream.indirect_vreg.gather [hbm4b:s12+s2], $0x80, v19, vm0, $0xb8;
	[tilespmem:$0xA280] =	vst v63  }
0x2e3: {  	v61 =	vperm.xlane v17, v12;
	v19 =	vadd.s32 v3, v60;
	s14 =	simm.s32 $0x3980  }
0x2e4: {  	[tilespmem:s14], [sflag:$0x1] =	stream.indirect_vreg.gather [hbm4b:s12+s2], $0x80, v58, vm0, $0xb8;
	[tilespmem:$0xA280] =	vst v63  }
0x2e5: {  	v63 =	vperm.xlane v17, v13;
	v62 =	vadd.s32 v3, v61;
	s14 =	simm.s32 $0x3A00  }
0x2e6: {  	[tilespmem:s14], [sflag:$0x1] =	stream.indirect_vreg.gather [hbm4b:s12+s2], $0x80, v18, vm0, $0xb8;
	[tilespmem:$0xA280] =	vst v63  }
0x2e7: {  	v24 =	vperm.xlane v17, v14;
	v18 =	vadd.s32 v3, v63;
	s14 =	simm.s32 $0x3A80  }
0x2e8: {  	[tilespmem:s14], [sflag:$0x1] =	stream.indirect_vreg.gather [hbm4b:s12+s2], $0x80, v19, vm0, $0xb8;
	[tilespmem:$0xA280] =	vst v63  }
0x2e9: {  	v25 =	vperm.xlane v17, v15;
	v19 =	vadd.s32 v3, v24;
	s14 =	simm.s32 $0x3B00  }
0x2ea: {  	[tilespmem:s14], [sflag:$0x1] =	stream.indirect_vreg.gather [hbm4b:s12+s2], $0x80, v62, vm0, $0xb8;
	[tilespmem:$0xA280] =	vst v63  }
0x2eb: {  	v17 =	vperm.xlane v17, v16;
	v26 =	vadd.s32 v3, v25;
	s14 =	simm.s32 $0x3B80  }
0x2ec: {  	[tilespmem:s14], [sflag:$0x1] =	stream.indirect_vreg.gather [hbm4b:s12+s2], $0x80, v18, vm0, $0xb8;
	[tilespmem:$0xA280] =	vst v63  }
0x2ed: {  	v17 =	vadd.s32 v3, v17;
	s14 =	simm.s32 $0x3C00  }
0x2ee: {  	[tilespmem:s14], [sflag:$0x1] =	stream.indirect_vreg.gather [hbm4b:s12+s2], $0x80, v19, vm0, $0xb8;
	[tilespmem:$0xA280] =	vst v63  }
0x2ef: {  	s14 =	simm.s32 $0x3C80  }
0x2f0: {  	[tilespmem:s14], [sflag:$0x1] =	stream.indirect_vreg.gather [hbm4b:s12+s2], $0x80, v26, vm0, $0xb8;
	[tilespmem:$0xA280] =	vst v63  }
0x2f1: {  	s14 =	simm.s32 $0x3D00  }
0x2f2: {  	[tilespmem:s14], [sflag:$0x1] =	stream.indirect_vreg.gather [hbm4b:s12+s2], $0x80, v17, vm0, $0xb8;
	[tilespmem:$0xA280] =	vst v63  }
0x2f3: {  	v17 =	vld [tilespmem:s6+$0xFFFFFF60];
	_ =	sdelay $0x4  }
0x2f4: {  	v18 =	vshrl.u32 v17, $0x3  }
0x2f5: {  	v18 =	vmul.u32 $0x1870, v18  }
0x2f6: {  	v17 =	vand.u32 $0x7, v17  }
0x2f7: {  	v17 =	vor.u32 v17, v18  }
0x2f8: {  	v18 =	vperm.xlane v17, v2;
	_ =	sdelay $0x1  }
0x2f9: {  	v19 =	vperm.xlane v17, v4;
	v18 =	vadd.s32 v3, v18;
	_ =	sdelay $0x1  }
0x2fa: {  	v27 =	vperm.xlane v17, v5;
	v19 =	vadd.s32 v3, v19;
	_ =	sdelay $0x1  }
0x2fb: {  	s14 =	simm.s32 $0x3D80;
	v28 =	vperm.xlane v17, v0;
	v20 =	vadd.s32 v3, v27  }
0x2fc: {  	[tilespmem:s14], [sflag:$0x1] =	stream.indirect_vreg.gather [hbm4b:s12+s2], $0x80, v18, vm0, $0xb8;
	[tilespmem:$0xA280] =	vst v63  }
0x2fd: {  	v29 =	vperm.xlane v17, v6;
	v18 =	vadd.s32 v3, v28;
	s14 =	simm.s32 $0x3E00  }
0x2fe: {  	[tilespmem:s14], [sflag:$0x1] =	stream.indirect_vreg.gather [hbm4b:s12+s2], $0x80, v19, vm0, $0xb8;
	[tilespmem:$0xA280] =	vst v63  }
0x2ff: {  	v30 =	vperm.xlane v17, v7;
	v19 =	vadd.s32 v3, v29;
	s14 =	simm.s32 $0x3E80  }
0x300: {  	[tilespmem:s14], [sflag:$0x1] =	stream.indirect_vreg.gather [hbm4b:s12+s2], $0x80, v20, vm0, $0xb8;
	[tilespmem:$0xA280] =	vst v63  }
0x301: {  	v32 =	vperm.xlane v17, v8;
	v31 =	vadd.s32 v3, v30;
	s14 =	simm.s32 $0x3F00  }
0x302: {  	[tilespmem:s14], [sflag:$0x1] =	stream.indirect_vreg.gather [hbm4b:s12+s2], $0x80, v18, vm0, $0xb8;
	[tilespmem:$0xA280] =	vst v63  }
0x303: {  	v33 =	vperm.xlane v17, v1;
	v18 =	vadd.s32 v3, v32;
	s14 =	simm.s32 $0x3F80  }
0x304: {  	[tilespmem:s14], [sflag:$0x1] =	stream.indirect_vreg.gather [hbm4b:s12+s2], $0x80, v19, vm0, $0xb8;
	[tilespmem:$0xA280] =	vst v63  }
0x305: {  	v34 =	vperm.xlane v17, v9;
	v19 =	vadd.s32 v3, v33;
	s14 =	simm.s32 $0x4000  }
0x306: {  	[tilespmem:s14], [sflag:$0x1] =	stream.indirect_vreg.gather [hbm4b:s12+s2], $0x80, v31, vm0, $0xb8;
	[tilespmem:$0xA280] =	vst v63  }
0x307: {  	v36 =	vperm.xlane v17, v10;
	v35 =	vadd.s32 v3, v34;
	s14 =	simm.s32 $0x4080  }
0x308: {  	[tilespmem:s14], [sflag:$0x1] =	stream.indirect_vreg.gather [hbm4b:s12+s2], $0x80, v18, vm0, $0xb8;
	[tilespmem:$0xA280] =	vst v63  }
0x309: {  	v37 =	vperm.xlane v17, v11;
	v18 =	vadd.s32 v3, v36;
	s14 =	simm.s32 $0x4100  }
0x30a: {  	[tilespmem:s14], [sflag:$0x1] =	stream.indirect_vreg.gather [hbm4b:s12+s2], $0x80, v19, vm0, $0xb8;
	[tilespmem:$0xA280] =	vst v63  }
0x30b: {  	v38 =	vperm.xlane v17, v12;
	v19 =	vadd.s32 v3, v37;
	s14 =	simm.s32 $0x4180  }
0x30c: {  	[tilespmem:s14], [sflag:$0x1] =	stream.indirect_vreg.gather [hbm4b:s12+s2], $0x80, v35, vm0, $0xb8;
	[tilespmem:$0xA280] =	vst v63  }
0x30d: {  	v40 =	vperm.xlane v17, v13;
	v39 =	vadd.s32 v3, v38;
	s14 =	simm.s32 $0x4200  }
0x30e: {  	[tilespmem:s14], [sflag:$0x1] =	stream.indirect_vreg.gather [hbm4b:s12+s2], $0x80, v18, vm0, $0xb8;
	[tilespmem:$0xA280] =	vst v63  }
0x30f: {  	v41 =	vperm.xlane v17, v14;
	v18 =	vadd.s32 v3, v40;
	s14 =	simm.s32 $0x4280  }
0x310: {  	[tilespmem:s14], [sflag:$0x1] =	stream.indirect_vreg.gather [hbm4b:s12+s2], $0x80, v19, vm0, $0xb8;
	[tilespmem:$0xA280] =	vst v63  }
0x311: {  	v42 =	vperm.xlane v17, v15;
	v19 =	vadd.s32 v3, v41;
	s14 =	simm.s32 $0x4300  }
0x312: {  	[tilespmem:s14], [sflag:$0x1] =	stream.indirect_vreg.gather [hbm4b:s12+s2], $0x80, v39, vm0, $0xb8;
	[tilespmem:$0xA280] =	vst v63  }
0x313: {  	v17 =	vperm.xlane v17, v16;
	v43 =	vadd.s32 v3, v42;
	s14 =	simm.s32 $0x4380  }
0x314: {  	[tilespmem:s14], [sflag:$0x1] =	stream.indirect_vreg.gather [hbm4b:s12+s2], $0x80, v18, vm0, $0xb8;
	[tilespmem:$0xA280] =	vst v63  }
0x315: {  	v17 =	vadd.s32 v3, v17;
	s14 =	simm.s32 $0x4400  }
0x316: {  	[tilespmem:s14], [sflag:$0x1] =	stream.indirect_vreg.gather [hbm4b:s12+s2], $0x80, v19, vm0, $0xb8;
	[tilespmem:$0xA280] =	vst v63  }
0x317: {  	s14 =	simm.s32 $0x4480  }
0x318: {  	[tilespmem:s14], [sflag:$0x1] =	stream.indirect_vreg.gather [hbm4b:s12+s2], $0x80, v43, vm0, $0xb8;
	[tilespmem:$0xA280] =	vst v63  }
0x319: {  	s14 =	simm.s32 $0x4500  }
0x31a: {  	[tilespmem:s14], [sflag:$0x1] =	stream.indirect_vreg.gather [hbm4b:s12+s2], $0x80, v17, vm0, $0xb8;
	[tilespmem:$0xA280] =	vst v63  }
0x31b: {  	v17 =	vld [tilespmem:s6+$0xFFFFFF70];
	_ =	sdelay $0x4  }
0x31c: {  	v18 =	vshrl.u32 v17, $0x3  }
0x31d: {  	v18 =	vmul.u32 $0x1870, v18  }
0x31e: {  	v17 =	vand.u32 $0x7, v17  }
0x31f: {  	v17 =	vor.u32 v17, v18  }
0x320: {  	v18 =	vperm.xlane v17, v2;
	_ =	sdelay $0x1  }
0x321: {  	v19 =	vperm.xlane v17, v4;
	v18 =	vadd.s32 v3, v18;
	_ =	sdelay $0x1  }
0x322: {  	v44 =	vperm.xlane v17, v5;
	v19 =	vadd.s32 v3, v19;
	_ =	sdelay $0x1  }
0x323: {  	s14 =	simm.s32 $0x4580;
	v45 =	vperm.xlane v17, v0;
	v20 =	vadd.s32 v3, v44  }
0x324: {  	[tilespmem:s14], [sflag:$0x1] =	stream.indirect_vreg.gather [hbm4b:s12+s2], $0x80, v18, vm0, $0xb8;
	[tilespmem:$0xA280] =	vst v63  }
0x325: {  	v46 =	vperm.xlane v17, v6;
	v18 =	vadd.s32 v3, v45;
	s14 =	simm.s32 $0x4600  }
0x326: {  	[tilespmem:s14], [sflag:$0x1] =	stream.indirect_vreg.gather [hbm4b:s12+s2], $0x80, v19, vm0, $0xb8;
	[tilespmem:$0xA280] =	vst v63  }
0x327: {  	v47 =	vperm.xlane v17, v7;
	v19 =	vadd.s32 v3, v46;
	s14 =	simm.s32 $0x4680  }
0x328: {  	[tilespmem:s14], [sflag:$0x1] =	stream.indirect_vreg.gather [hbm4b:s12+s2], $0x80, v20, vm0, $0xb8;
	[tilespmem:$0xA280] =	vst v63  }
0x329: {  	v49 =	vperm.xlane v17, v8;
	v48 =	vadd.s32 v3, v47;
	s14 =	simm.s32 $0x4700  }
0x32a: {  	[tilespmem:s14], [sflag:$0x1] =	stream.indirect_vreg.gather [hbm4b:s12+s2], $0x80, v18, vm0, $0xb8;
	[tilespmem:$0xA280] =	vst v63  }
0x32b: {  	v50 =	vperm.xlane v17, v1;
	v18 =	vadd.s32 v3, v49;
	s14 =	simm.s32 $0x4780  }
0x32c: {  	[tilespmem:s14], [sflag:$0x1] =	stream.indirect_vreg.gather [hbm4b:s12+s2], $0x80, v19, vm0, $0xb8;
	[tilespmem:$0xA280] =	vst v63  }
0x32d: {  	v51 =	vperm.xlane v17, v9;
	v19 =	vadd.s32 v3, v50;
	s14 =	simm.s32 $0x4800  }
0x32e: {  	[tilespmem:s14], [sflag:$0x1] =	stream.indirect_vreg.gather [hbm4b:s12+s2], $0x80, v48, vm0, $0xb8;
	[tilespmem:$0xA280] =	vst v63  }
0x32f: {  	v53 =	vperm.xlane v17, v10;
	v52 =	vadd.s32 v3, v51;
	s14 =	simm.s32 $0x4880  }
0x330: {  	[tilespmem:s14], [sflag:$0x1] =	stream.indirect_vreg.gather [hbm4b:s12+s2], $0x80, v18, vm0, $0xb8;
	[tilespmem:$0xA280] =	vst v63  }
0x331: {  	v54 =	vperm.xlane v17, v11;
	v18 =	vadd.s32 v3, v53;
	s14 =	simm.s32 $0x4900  }
0x332: {  	[tilespmem:s14], [sflag:$0x1] =	stream.indirect_vreg.gather [hbm4b:s12+s2], $0x80, v19, vm0, $0xb8;
	[tilespmem:$0xA280] =	vst v63  }
0x333: {  	v55 =	vperm.xlane v17, v12;
	v19 =	vadd.s32 v3, v54;
	s14 =	simm.s32 $0x4980  }
0x334: {  	[tilespmem:s14], [sflag:$0x1] =	stream.indirect_vreg.gather [hbm4b:s12+s2], $0x80, v52, vm0, $0xb8;
	[tilespmem:$0xA280] =	vst v63  }
0x335: {  	v57 =	vperm.xlane v17, v13;
	v56 =	vadd.s32 v3, v55;
	s14 =	simm.s32 $0x4A00  }
0x336: {  	[tilespmem:s14], [sflag:$0x1] =	stream.indirect_vreg.gather [hbm4b:s12+s2], $0x80, v18, vm0, $0xb8;
	[tilespmem:$0xA280] =	vst v63  }
0x337: {  	v58 =	vperm.xlane v17, v14;
	v18 =	vadd.s32 v3, v57;
	s14 =	simm.s32 $0x4A80  }
0x338: {  	[tilespmem:s14], [sflag:$0x1] =	stream.indirect_vreg.gather [hbm4b:s12+s2], $0x80, v19, vm0, $0xb8;
	[tilespmem:$0xA280] =	vst v63  }
0x339: {  	v59 =	vperm.xlane v17, v15;
	v19 =	vadd.s32 v3, v58;
	s14 =	simm.s32 $0x4B00  }
0x33a: {  	[tilespmem:s14], [sflag:$0x1] =	stream.indirect_vreg.gather [hbm4b:s12+s2], $0x80, v56, vm0, $0xb8;
	[tilespmem:$0xA280] =	vst v63  }
0x33b: {  	v17 =	vperm.xlane v17, v16;
	v60 =	vadd.s32 v3, v59;
	s14 =	simm.s32 $0x4B80  }
0x33c: {  	[tilespmem:s14], [sflag:$0x1] =	stream.indirect_vreg.gather [hbm4b:s12+s2], $0x80, v18, vm0, $0xb8;
	[tilespmem:$0xA280] =	vst v63  }
0x33d: {  	v17 =	vadd.s32 v3, v17;
	s14 =	simm.s32 $0x4C00  }
0x33e: {  	[tilespmem:s14], [sflag:$0x1] =	stream.indirect_vreg.gather [hbm4b:s12+s2], $0x80, v19, vm0, $0xb8;
	[tilespmem:$0xA280] =	vst v63  }
0x33f: {  	s14 =	simm.s32 $0x4C80  }
0x340: {  	[tilespmem:s14], [sflag:$0x1] =	stream.indirect_vreg.gather [hbm4b:s12+s2], $0x80, v60, vm0, $0xb8;
	[tilespmem:$0xA280] =	vst v63  }
0x341: {  	s14 =	simm.s32 $0x4D00  }
0x342: {  	[tilespmem:s14], [sflag:$0x1] =	stream.indirect_vreg.gather [hbm4b:s12+s2], $0x80, v17, vm0, $0xb8;
	[tilespmem:$0xA280] =	vst v63  }
0x343: {  	v17 =	vld [tilespmem:s6+$0xFFFFFF80];
	_ =	sdelay $0x4  }
0x344: {  	v18 =	vshrl.u32 v17, $0x3  }
0x345: {  	v18 =	vmul.u32 $0x1870, v18  }
0x346: {  	v17 =	vand.u32 $0x7, v17  }
0x347: {  	v17 =	vor.u32 v17, v18  }
0x348: {  	v18 =	vperm.xlane v17, v2;
	_ =	sdelay $0x1  }
0x349: {  	v19 =	vperm.xlane v17, v4;
	v18 =	vadd.s32 v3, v18;
	_ =	sdelay $0x1  }
0x34a: {  	v61 =	vperm.xlane v17, v5;
	v19 =	vadd.s32 v3, v19;
	_ =	sdelay $0x1  }
0x34b: {  	s14 =	simm.s32 $0x4D80;
	v62 =	vperm.xlane v17, v0;
	v20 =	vadd.s32 v3, v61  }
0x34c: {  	[tilespmem:s14], [sflag:$0x1] =	stream.indirect_vreg.gather [hbm4b:s12+s2], $0x80, v18, vm0, $0xb8;
	[tilespmem:$0xA280] =	vst v63  }
0x34d: {  	v63 =	vperm.xlane v17, v6;
	v18 =	vadd.s32 v3, v62;
	s14 =	simm.s32 $0x4E00  }
0x34e: {  	[tilespmem:s14], [sflag:$0x1] =	stream.indirect_vreg.gather [hbm4b:s12+s2], $0x80, v19, vm0, $0xb8;
	[tilespmem:$0xA280] =	vst v63  }
0x34f: {  	v24 =	vperm.xlane v17, v7;
	v19 =	vadd.s32 v3, v63;
	s14 =	simm.s32 $0x4E80  }
0x350: {  	[tilespmem:s14], [sflag:$0x1] =	stream.indirect_vreg.gather [hbm4b:s12+s2], $0x80, v20, vm0, $0xb8;
	[tilespmem:$0xA280] =	vst v63  }
0x351: {  	v26 =	vperm.xlane v17, v8;
	v25 =	vadd.s32 v3, v24;
	s14 =	simm.s32 $0x4F00  }
0x352: {  	[tilespmem:s14], [sflag:$0x1] =	stream.indirect_vreg.gather [hbm4b:s12+s2], $0x80, v18, vm0, $0xb8;
	[tilespmem:$0xA280] =	vst v63  }
0x353: {  	v27 =	vperm.xlane v17, v1;
	v18 =	vadd.s32 v3, v26;
	s14 =	simm.s32 $0x4F80  }
0x354: {  	[tilespmem:s14], [sflag:$0x1] =	stream.indirect_vreg.gather [hbm4b:s12+s2], $0x80, v19, vm0, $0xb8;
	[tilespmem:$0xA280] =	vst v63  }
0x355: {  	v28 =	vperm.xlane v17, v9;
	v19 =	vadd.s32 v3, v27;
	s14 =	simm.s32 $0x5000  }
0x356: {  	[tilespmem:s14], [sflag:$0x1] =	stream.indirect_vreg.gather [hbm4b:s12+s2], $0x80, v25, vm0, $0xb8;
	[tilespmem:$0xA280] =	vst v63  }
0x357: {  	v30 =	vperm.xlane v17, v10;
	v29 =	vadd.s32 v3, v28;
	s14 =	simm.s32 $0x5080  }
0x358: {  	[tilespmem:s14], [sflag:$0x1] =	stream.indirect_vreg.gather [hbm4b:s12+s2], $0x80, v18, vm0, $0xb8;
	[tilespmem:$0xA280] =	vst v63  }
0x359: {  	v31 =	vperm.xlane v17, v11;
	v18 =	vadd.s32 v3, v30;
	s14 =	simm.s32 $0x5100  }
0x35a: {  	[tilespmem:s14], [sflag:$0x1] =	stream.indirect_vreg.gather [hbm4b:s12+s2], $0x80, v19, vm0, $0xb8;
	[tilespmem:$0xA280] =	vst v63  }
0x35b: {  	v32 =	vperm.xlane v17, v12;
	v19 =	vadd.s32 v3, v31;
	s14 =	simm.s32 $0x5180  }
0x35c: {  	[tilespmem:s14], [sflag:$0x1] =	stream.indirect_vreg.gather [hbm4b:s12+s2], $0x80, v29, vm0, $0xb8;
	[tilespmem:$0xA280] =	vst v63  }
0x35d: {  	v34 =	vperm.xlane v17, v13;
	v33 =	vadd.s32 v3, v32;
	s14 =	simm.s32 $0x5200  }
0x35e: {  	[tilespmem:s14], [sflag:$0x1] =	stream.indirect_vreg.gather [hbm4b:s12+s2], $0x80, v18, vm0, $0xb8;
	[tilespmem:$0xA280] =	vst v63  }
0x35f: {  	v35 =	vperm.xlane v17, v14;
	v18 =	vadd.s32 v3, v34;
	s14 =	simm.s32 $0x5280  }
0x360: {  	[tilespmem:s14], [sflag:$0x1] =	stream.indirect_vreg.gather [hbm4b:s12+s2], $0x80, v19, vm0, $0xb8;
	[tilespmem:$0xA280] =	vst v63  }
0x361: {  	v36 =	vperm.xlane v17, v15;
	v19 =	vadd.s32 v3, v35;
	s14 =	simm.s32 $0x5300  }
0x362: {  	[tilespmem:s14], [sflag:$0x1] =	stream.indirect_vreg.gather [hbm4b:s12+s2], $0x80, v33, vm0, $0xb8;
	[tilespmem:$0xA280] =	vst v63  }
0x363: {  	v17 =	vperm.xlane v17, v16;
	v37 =	vadd.s32 v3, v36;
	s14 =	simm.s32 $0x5380  }
0x364: {  	[tilespmem:s14], [sflag:$0x1] =	stream.indirect_vreg.gather [hbm4b:s12+s2], $0x80, v18, vm0, $0xb8;
	[tilespmem:$0xA280] =	vst v63  }
0x365: {  	v17 =	vadd.s32 v3, v17;
	s14 =	simm.s32 $0x5400  }
0x366: {  	[tilespmem:s14], [sflag:$0x1] =	stream.indirect_vreg.gather [hbm4b:s12+s2], $0x80, v19, vm0, $0xb8;
	[tilespmem:$0xA280] =	vst v63  }
0x367: {  	s14 =	simm.s32 $0x5480  }
0x368: {  	[tilespmem:s14], [sflag:$0x1] =	stream.indirect_vreg.gather [hbm4b:s12+s2], $0x80, v37, vm0, $0xb8;
	[tilespmem:$0xA280] =	vst v63  }
0x369: {  	s14 =	simm.s32 $0x5500  }
0x36a: {  	[tilespmem:s14], [sflag:$0x1] =	stream.indirect_vreg.gather [hbm4b:s12+s2], $0x80, v17, vm0, $0xb8;
	[tilespmem:$0xA280] =	vst v63  }
0x36b: {  	v17 =	vld [tilespmem:s6+$0xFFFFFF90];
	_ =	sdelay $0x4  }
0x36c: {  	v18 =	vshrl.u32 v17, $0x3  }
0x36d: {  	v18 =	vmul.u32 $0x1870, v18  }
0x36e: {  	v17 =	vand.u32 $0x7, v17  }
0x36f: {  	v17 =	vor.u32 v17, v18  }
0x370: {  	v18 =	vperm.xlane v17, v2;
	_ =	sdelay $0x1  }
0x371: {  	v19 =	vperm.xlane v17, v4;
	v18 =	vadd.s32 v3, v18;
	_ =	sdelay $0x1  }
0x372: {  	v38 =	vperm.xlane v17, v5;
	v19 =	vadd.s32 v3, v19;
	_ =	sdelay $0x1  }
0x373: {  	s14 =	simm.s32 $0x5580;
	v39 =	vperm.xlane v17, v0;
	v20 =	vadd.s32 v3, v38  }
0x374: {  	[tilespmem:s14], [sflag:$0x1] =	stream.indirect_vreg.gather [hbm4b:s12+s2], $0x80, v18, vm0, $0xb8;
	[tilespmem:$0xA280] =	vst v63  }
0x375: {  	v40 =	vperm.xlane v17, v6;
	v18 =	vadd.s32 v3, v39;
	s14 =	simm.s32 $0x5600  }
0x376: {  	[tilespmem:s14], [sflag:$0x1] =	stream.indirect_vreg.gather [hbm4b:s12+s2], $0x80, v19, vm0, $0xb8;
	[tilespmem:$0xA280] =	vst v63  }
0x377: {  	v41 =	vperm.xlane v17, v7;
	v19 =	vadd.s32 v3, v40;
	s14 =	simm.s32 $0x5680  }
0x378: {  	[tilespmem:s14], [sflag:$0x1] =	stream.indirect_vreg.gather [hbm4b:s12+s2], $0x80, v20, vm0, $0xb8;
	[tilespmem:$0xA280] =	vst v63  }
0x379: {  	v43 =	vperm.xlane v17, v8;
	v42 =	vadd.s32 v3, v41;
	s14 =	simm.s32 $0x5700  }
0x37a: {  	[tilespmem:s14], [sflag:$0x1] =	stream.indirect_vreg.gather [hbm4b:s12+s2], $0x80, v18, vm0, $0xb8;
	[tilespmem:$0xA280] =	vst v63  }
0x37b: {  	v44 =	vperm.xlane v17, v1;
	v18 =	vadd.s32 v3, v43;
	s14 =	simm.s32 $0x5780  }
0x37c: {  	[tilespmem:s14], [sflag:$0x1] =	stream.indirect_vreg.gather [hbm4b:s12+s2], $0x80, v19, vm0, $0xb8;
	[tilespmem:$0xA280] =	vst v63  }
0x37d: {  	v45 =	vperm.xlane v17, v9;
	v19 =	vadd.s32 v3, v44;
	s14 =	simm.s32 $0x5800  }
0x37e: {  	[tilespmem:s14], [sflag:$0x1] =	stream.indirect_vreg.gather [hbm4b:s12+s2], $0x80, v42, vm0, $0xb8;
	[tilespmem:$0xA280] =	vst v63  }
0x37f: {  	v47 =	vperm.xlane v17, v10;
	v46 =	vadd.s32 v3, v45;
	s14 =	simm.s32 $0x5880  }
0x380: {  	[tilespmem:s14], [sflag:$0x1] =	stream.indirect_vreg.gather [hbm4b:s12+s2], $0x80, v18, vm0, $0xb8;
	[tilespmem:$0xA280] =	vst v63  }
0x381: {  	v48 =	vperm.xlane v17, v11;
	v18 =	vadd.s32 v3, v47;
	s14 =	simm.s32 $0x5900  }
0x382: {  	[tilespmem:s14], [sflag:$0x1] =	stream.indirect_vreg.gather [hbm4b:s12+s2], $0x80, v19, vm0, $0xb8;
	[tilespmem:$0xA280] =	vst v63  }
0x383: {  	v49 =	vperm.xlane v17, v12;
	v19 =	vadd.s32 v3, v48;
	s14 =	simm.s32 $0x5980  }
0x384: {  	[tilespmem:s14], [sflag:$0x1] =	stream.indirect_vreg.gather [hbm4b:s12+s2], $0x80, v46, vm0, $0xb8;
	[tilespmem:$0xA280] =	vst v63  }
0x385: {  	v51 =	vperm.xlane v17, v13;
	v50 =	vadd.s32 v3, v49;
	s14 =	simm.s32 $0x5A00  }
0x386: {  	[tilespmem:s14], [sflag:$0x1] =	stream.indirect_vreg.gather [hbm4b:s12+s2], $0x80, v18, vm0, $0xb8;
	[tilespmem:$0xA280] =	vst v63  }
0x387: {  	v52 =	vperm.xlane v17, v14;
	v18 =	vadd.s32 v3, v51;
	s14 =	simm.s32 $0x5A80  }
0x388: {  	[tilespmem:s14], [sflag:$0x1] =	stream.indirect_vreg.gather [hbm4b:s12+s2], $0x80, v19, vm0, $0xb8;
	[tilespmem:$0xA280] =	vst v63  }
0x389: {  	v53 =	vperm.xlane v17, v15;
	v19 =	vadd.s32 v3, v52;
	s14 =	simm.s32 $0x5B00  }
0x38a: {  	[tilespmem:s14], [sflag:$0x1] =	stream.indirect_vreg.gather [hbm4b:s12+s2], $0x80, v50, vm0, $0xb8;
	[tilespmem:$0xA280] =	vst v63  }
0x38b: {  	v17 =	vperm.xlane v17, v16;
	v54 =	vadd.s32 v3, v53;
	s14 =	simm.s32 $0x5B80  }
0x38c: {  	[tilespmem:s14], [sflag:$0x1] =	stream.indirect_vreg.gather [hbm4b:s12+s2], $0x80, v18, vm0, $0xb8;
	[tilespmem:$0xA280] =	vst v63  }
0x38d: {  	v17 =	vadd.s32 v3, v17;
	s14 =	simm.s32 $0x5C00  }
0x38e: {  	[tilespmem:s14], [sflag:$0x1] =	stream.indirect_vreg.gather [hbm4b:s12+s2], $0x80, v19, vm0, $0xb8;
	[tilespmem:$0xA280] =	vst v63  }
0x38f: {  	s14 =	simm.s32 $0x5C80  }
0x390: {  	[tilespmem:s14], [sflag:$0x1] =	stream.indirect_vreg.gather [hbm4b:s12+s2], $0x80, v54, vm0, $0xb8;
	[tilespmem:$0xA280] =	vst v63  }
0x391: {  	s14 =	simm.s32 $0x5D00  }
0x392: {  	[tilespmem:s14], [sflag:$0x1] =	stream.indirect_vreg.gather [hbm4b:s12+s2], $0x80, v17, vm0, $0xb8;
	[tilespmem:$0xA280] =	vst v63  }
0x393: {  	_ =	swait.ge [sflag:s5], $0x3800  }
0x394: {  	[sflag:s5] =	ssyncset.done $0x0  }
0x395: {  	[sflag:s5] =	ssyncadd.s32 $0xFFFFC800  }
0x396: {  	v17 =	vld [tilespmem:s11+$0xC00]  }
0x397: {  	v18 =	vld [tilespmem:s11+$0x1900];
	_ =	sdelay $0x4  }
0x398: {  	v55 =	vld [tilespmem:s11+$0xC10];
	v19 =	vand.u32 $0xFFFFFF80, v18;
	v17 =	vshll.u32 v17, $0x7  }
0x399: {  	v18 =	vand.u32 $0x7F, v18;
	v17 =	vadd.s32 v17, v19;
	v19 =	vld [tilespmem:s11+$0x1910]  }
0x39a: {  	v17 =	vor.u32 v18, v17;
	_ =	sdelay $0x3  }
0x39b: {  	v56 =	vld [tilespmem:s11+$0x1920];
	v20 =	vshll.u32 v55, $0x7;
	v18 =	vand.u32 $0xFFFFFF80, v19  }
0x39c: {  	v19 =	vand.u32 $0x7F, v19;
	v17 =	vld.idx.msk [tilespmem:v17+s23+$0x0], $0xffff;
	v18 =	vadd.s32 v20, v18  }
0x39d: {  	v18 =	vor.u32 v19, v18;
	v19 =	vld [tilespmem:s11+$0xC20];
	_ =	sdelay $0x3  }
0x39e: {  	v57 =	vld [tilespmem:s11+$0xC30];
	[tilespmem:s11+$0x9600] =	vst v17  }
0x39f: {  	v17 =	vld.idx.msk [tilespmem:v18+s23+$0x0], $0xffff;
	v18 =	vand.u32 $0xFFFFFF80, v56;
	v19 =	vshll.u32 v19, $0x7  }
0x3a0: {  	v20 =	vand.u32 $0x7F, v56;
	v18 =	vadd.s32 v19, v18;
	v19 =	vld [tilespmem:s11+$0x1930]  }
0x3a1: {  	v18 =	vor.u32 v20, v18;
	_ =	sdelay $0x3  }
0x3a2: {  	v59 =	vld [tilespmem:s11+$0x1940];
	v58 =	vshll.u32 v57, $0x7;
	[tilespmem:s11+$0x9610] =	vst v17;
	v17 =	vand.u32 $0xFFFFFF80, v19  }
0x3a3: {  	v19 =	vand.u32 $0x7F, v19;
	v18 =	vld.idx.msk [tilespmem:v18+s23+$0x0], $0xffff;
	v17 =	vadd.s32 v58, v17  }
0x3a4: {  	v17 =	vor.u32 v19, v17;
	v19 =	vld [tilespmem:s11+$0xC40];
	_ =	sdelay $0x3  }
0x3a5: {  	v60 =	vld [tilespmem:s11+$0xC50];
	[tilespmem:s11+$0x9620] =	vst v18  }
0x3a6: {  	v18 =	vand.u32 $0xFFFFFF80, v59;
	v17 =	vld.idx.msk [tilespmem:v17+s23+$0x0], $0xffff;
	v19 =	vshll.u32 v19, $0x7  }
0x3a7: {  	v20 =	vand.u32 $0x7F, v59;
	v18 =	vadd.s32 v19, v18;
	v19 =	vld [tilespmem:s11+$0x1950]  }
0x3a8: {  	v18 =	vor.u32 v20, v18;
	_ =	sdelay $0x3  }
0x3a9: {  	v62 =	vld [tilespmem:s11+$0x1960];
	v61 =	vshll.u32 v60, $0x7;
	[tilespmem:s11+$0x9630] =	vst v17;
	v17 =	vand.u32 $0xFFFFFF80, v19  }
0x3aa: {  	v19 =	vand.u32 $0x7F, v19;
	v18 =	vld.idx.msk [tilespmem:v18+s23+$0x0], $0xffff;
	v17 =	vadd.s32 v61, v17  }
0x3ab: {  	v17 =	vor.u32 v19, v17;
	v19 =	vld [tilespmem:s11+$0xC60];
	_ =	sdelay $0x3  }
0x3ac: {  	v63 =	vld [tilespmem:s11+$0xC70];
	[tilespmem:s11+$0x9640] =	vst v18  }
0x3ad: {  	v18 =	vand.u32 $0xFFFFFF80, v62;
	v17 =	vld.idx.msk [tilespmem:v17+s23+$0x0], $0xffff;
	v19 =	vshll.u32 v19, $0x7  }
0x3ae: {  	v20 =	vand.u32 $0x7F, v62;
	v18 =	vadd.s32 v19, v18;
	v19 =	vld [tilespmem:s11+$0x1970]  }
0x3af: {  	v18 =	vor.u32 v20, v18;
	_ =	sdelay $0x3  }
0x3b0: {  	v24 =	vshll.u32 v63, $0x7;
	[tilespmem:s11+$0x9650] =	vst v17;
	v17 =	vand.u32 $0xFFFFFF80, v19  }
0x3b1: {  	v19 =	vand.u32 $0x7F, v19;
	v18 =	vld.idx.msk [tilespmem:v18+s23+$0x0], $0xffff;
	v17 =	vadd.s32 v24, v17  }
0x3b2: {  	v17 =	vor.u32 v19, v17;
	_ =	sdelay $0x3  }
0x3b3: {  	[tilespmem:s11+$0x9660] =	vst v18  }
0x3b4: {  	v17 =	vld.idx.msk [tilespmem:v17+s23+$0x0], $0xffff;
	_ =	sdelay $0x4  }
0x3b5: {  	[tilespmem:s11+$0x9670] =	vst v17  }
0x3b6: {  	v17 =	vld [tilespmem:s6+$0xFFFFFFA0];
	_ =	sdelay $0x4  }
0x3b7: {  	v18 =	vshrl.u32 v17, $0x3  }
0x3b8: {  	v18 =	vmul.u32 $0x1870, v18  }
0x3b9: {  	v17 =	vand.u32 $0x7, v17  }
0x3ba: {  	v17 =	vor.u32 v17, v18  }
0x3bb: {  	v18 =	vperm.xlane v17, v2;
	_ =	sdelay $0x1  }
0x3bc: {  	v19 =	vperm.xlane v17, v4;
	v18 =	vadd.s32 v3, v18  }
0x3bd: {  	p0 =	slt.s32 s9, $0x30C;
	s11 =	smov.u32 s9  }
0x3be: {  	s11 =	simm.s32 @!p0 $0x30C;
	v25 =	vperm.xlane v17, v5;
	v19 =	vadd.s32 v3, v19  }
0x3bf: {  	s11 =	sshll.u32 s11, $0x7  }
0x3c0: {  	s11 =	sadd.s32 s3, s11;
	v26 =	vperm.xlane v17, v0;
	v20 =	vadd.s32 v3, v25  }
0x3c1: {  	[tilespmem:s23], [sflag:$0x2] =	stream.indirect_vreg.gather [hbm4b:s11+s2], $0x80, v18, vm0, $0xb8;
	[tilespmem:$0xA280] =	vst v63  }
0x3c2: {  	s14 =	simm.s32 $0x5E00;
	v27 =	vperm.xlane v17, v6;
	v18 =	vadd.s32 v3, v26  }
0x3c3: {  	[tilespmem:s14], [sflag:$0x2] =	stream.indirect_vreg.gather [hbm4b:s11+s2], $0x80, v19, vm0, $0xb8;
	[tilespmem:$0xA280] =	vst v63  }
0x3c4: {  	v28 =	vperm.xlane v17, v7;
	v19 =	vadd.s32 v3, v27;
	s14 =	simm.s32 $0x5E80  }
0x3c5: {  	[tilespmem:s14], [sflag:$0x2] =	stream.indirect_vreg.gather [hbm4b:s11+s2], $0x80, v20, vm0, $0xb8;
	[tilespmem:$0xA280] =	vst v63  }
0x3c6: {  	v30 =	vperm.xlane v17, v8;
	v29 =	vadd.s32 v3, v28;
	s14 =	simm.s32 $0x5F00  }
0x3c7: {  	[tilespmem:s14], [sflag:$0x2] =	stream.indirect_vreg.gather [hbm4b:s11+s2], $0x80, v18, vm0, $0xb8;
	[tilespmem:$0xA280] =	vst v63  }
0x3c8: {  	v31 =	vperm.xlane v17, v1;
	v18 =	vadd.s32 v3, v30;
	s14 =	simm.s32 $0x5F80  }
0x3c9: {  	[tilespmem:s14], [sflag:$0x2] =	stream.indirect_vreg.gather [hbm4b:s11+s2], $0x80, v19, vm0, $0xb8;
	[tilespmem:$0xA280] =	vst v63  }
0x3ca: {  	v32 =	vperm.xlane v17, v9;
	v19 =	vadd.s32 v3, v31;
	s14 =	simm.s32 $0x6000  }
0x3cb: {  	[tilespmem:s14], [sflag:$0x2] =	stream.indirect_vreg.gather [hbm4b:s11+s2], $0x80, v29, vm0, $0xb8;
	[tilespmem:$0xA280] =	vst v63  }
0x3cc: {  	v34 =	vperm.xlane v17, v10;
	v33 =	vadd.s32 v3, v32;
	s14 =	simm.s32 $0x6080  }
0x3cd: {  	[tilespmem:s14], [sflag:$0x2] =	stream.indirect_vreg.gather [hbm4b:s11+s2], $0x80, v18, vm0, $0xb8;
	[tilespmem:$0xA280] =	vst v63  }
0x3ce: {  	v35 =	vperm.xlane v17, v11;
	v18 =	vadd.s32 v3, v34;
	s14 =	simm.s32 $0x6100  }
0x3cf: {  	[tilespmem:s14], [sflag:$0x2] =	stream.indirect_vreg.gather [hbm4b:s11+s2], $0x80, v19, vm0, $0xb8;
	[tilespmem:$0xA280] =	vst v63  }
0x3d0: {  	v36 =	vperm.xlane v17, v12;
	v19 =	vadd.s32 v3, v35;
	s14 =	simm.s32 $0x6180  }
0x3d1: {  	[tilespmem:s14], [sflag:$0x2] =	stream.indirect_vreg.gather [hbm4b:s11+s2], $0x80, v33, vm0, $0xb8;
	[tilespmem:$0xA280] =	vst v63  }
0x3d2: {  	v38 =	vperm.xlane v17, v13;
	v37 =	vadd.s32 v3, v36;
	s14 =	simm.s32 $0x6200  }
0x3d3: {  	[tilespmem:s14], [sflag:$0x2] =	stream.indirect_vreg.gather [hbm4b:s11+s2], $0x80, v18, vm0, $0xb8;
	[tilespmem:$0xA280] =	vst v63  }
0x3d4: {  	v39 =	vperm.xlane v17, v14;
	v18 =	vadd.s32 v3, v38;
	s14 =	simm.s32 $0x6280  }
0x3d5: {  	[tilespmem:s14], [sflag:$0x2] =	stream.indirect_vreg.gather [hbm4b:s11+s2], $0x80, v19, vm0, $0xb8;
	[tilespmem:$0xA280] =	vst v63  }
0x3d6: {  	v40 =	vperm.xlane v17, v15;
	v19 =	vadd.s32 v3, v39;
	s14 =	simm.s32 $0x6300  }
0x3d7: {  	[tilespmem:s14], [sflag:$0x2] =	stream.indirect_vreg.gather [hbm4b:s11+s2], $0x80, v37, vm0, $0xb8;
	[tilespmem:$0xA280] =	vst v63  }
0x3d8: {  	v17 =	vperm.xlane v17, v16;
	v41 =	vadd.s32 v3, v40;
	s14 =	simm.s32 $0x6380  }
0x3d9: {  	[tilespmem:s14], [sflag:$0x2] =	stream.indirect_vreg.gather [hbm4b:s11+s2], $0x80, v18, vm0, $0xb8;
	[tilespmem:$0xA280] =	vst v63  }
0x3da: {  	v17 =	vadd.s32 v3, v17;
	s14 =	simm.s32 $0x6400  }
0x3db: {  	[tilespmem:s14], [sflag:$0x2] =	stream.indirect_vreg.gather [hbm4b:s11+s2], $0x80, v19, vm0, $0xb8;
	[tilespmem:$0xA280] =	vst v63  }
0x3dc: {  	s14 =	simm.s32 $0x6480  }
0x3dd: {  	[tilespmem:s14], [sflag:$0x2] =	stream.indirect_vreg.gather [hbm4b:s11+s2], $0x80, v41, vm0, $0xb8;
	[tilespmem:$0xA280] =	vst v63  }
0x3de: {  	s14 =	simm.s32 $0x6500  }
0x3df: {  	[tilespmem:s14], [sflag:$0x2] =	stream.indirect_vreg.gather [hbm4b:s11+s2], $0x80, v17, vm0, $0xb8;
	[tilespmem:$0xA280] =	vst v63  }
0x3e0: {  	v17 =	vld [tilespmem:s6+$0xFFFFFFB0];
	_ =	sdelay $0x4  }
0x3e1: {  	v18 =	vshrl.u32 v17, $0x3  }
0x3e2: {  	v18 =	vmul.u32 $0x1870, v18  }
0x3e3: {  	v17 =	vand.u32 $0x7, v17  }
0x3e4: {  	v17 =	vor.u32 v17, v18  }
0x3e5: {  	v18 =	vperm.xlane v17, v2;
	_ =	sdelay $0x1  }
0x3e6: {  	v19 =	vperm.xlane v17, v4;
	v18 =	vadd.s32 v3, v18;
	_ =	sdelay $0x1  }
0x3e7: {  	v42 =	vperm.xlane v17, v5;
	v19 =	vadd.s32 v3, v19;
	_ =	sdelay $0x1  }
0x3e8: {  	s14 =	simm.s32 $0x6580;
	v43 =	vperm.xlane v17, v0;
	v20 =	vadd.s32 v3, v42  }
0x3e9: {  	[tilespmem:s14], [sflag:$0x2] =	stream.indirect_vreg.gather [hbm4b:s11+s2], $0x80, v18, vm0, $0xb8;
	[tilespmem:$0xA280] =	vst v63  }
0x3ea: {  	v44 =	vperm.xlane v17, v6;
	v18 =	vadd.s32 v3, v43;
	s14 =	simm.s32 $0x6600  }
0x3eb: {  	[tilespmem:s14], [sflag:$0x2] =	stream.indirect_vreg.gather [hbm4b:s11+s2], $0x80, v19, vm0, $0xb8;
	[tilespmem:$0xA280] =	vst v63  }
0x3ec: {  	v45 =	vperm.xlane v17, v7;
	v19 =	vadd.s32 v3, v44;
	s14 =	simm.s32 $0x6680  }
0x3ed: {  	[tilespmem:s14], [sflag:$0x2] =	stream.indirect_vreg.gather [hbm4b:s11+s2], $0x80, v20, vm0, $0xb8;
	[tilespmem:$0xA280] =	vst v63  }
0x3ee: {  	v47 =	vperm.xlane v17, v8;
	v46 =	vadd.s32 v3, v45;
	s14 =	simm.s32 $0x6700  }
0x3ef: {  	[tilespmem:s14], [sflag:$0x2] =	stream.indirect_vreg.gather [hbm4b:s11+s2], $0x80, v18, vm0, $0xb8;
	[tilespmem:$0xA280] =	vst v63  }
0x3f0: {  	v48 =	vperm.xlane v17, v1;
	v18 =	vadd.s32 v3, v47;
	s14 =	simm.s32 $0x6780  }
0x3f1: {  	[tilespmem:s14], [sflag:$0x2] =	stream.indirect_vreg.gather [hbm4b:s11+s2], $0x80, v19, vm0, $0xb8;
	[tilespmem:$0xA280] =	vst v63  }
0x3f2: {  	v49 =	vperm.xlane v17, v9;
	v19 =	vadd.s32 v3, v48;
	s14 =	simm.s32 $0x6800  }
0x3f3: {  	[tilespmem:s14], [sflag:$0x2] =	stream.indirect_vreg.gather [hbm4b:s11+s2], $0x80, v46, vm0, $0xb8;
	[tilespmem:$0xA280] =	vst v63  }
0x3f4: {  	v51 =	vperm.xlane v17, v10;
	v50 =	vadd.s32 v3, v49;
	s14 =	simm.s32 $0x6880  }
0x3f5: {  	[tilespmem:s14], [sflag:$0x2] =	stream.indirect_vreg.gather [hbm4b:s11+s2], $0x80, v18, vm0, $0xb8;
	[tilespmem:$0xA280] =	vst v63  }
0x3f6: {  	v52 =	vperm.xlane v17, v11;
	v18 =	vadd.s32 v3, v51;
	s14 =	simm.s32 $0x6900  }
0x3f7: {  	[tilespmem:s14], [sflag:$0x2] =	stream.indirect_vreg.gather [hbm4b:s11+s2], $0x80, v19, vm0, $0xb8;
	[tilespmem:$0xA280] =	vst v63  }
0x3f8: {  	v53 =	vperm.xlane v17, v12;
	v19 =	vadd.s32 v3, v52;
	s14 =	simm.s32 $0x6980  }
0x3f9: {  	[tilespmem:s14], [sflag:$0x2] =	stream.indirect_vreg.gather [hbm4b:s11+s2], $0x80, v50, vm0, $0xb8;
	[tilespmem:$0xA280] =	vst v63  }
0x3fa: {  	v55 =	vperm.xlane v17, v13;
	v54 =	vadd.s32 v3, v53;
	s14 =	simm.s32 $0x6A00  }
0x3fb: {  	[tilespmem:s14], [sflag:$0x2] =	stream.indirect_vreg.gather [hbm4b:s11+s2], $0x80, v18, vm0, $0xb8;
	[tilespmem:$0xA280] =	vst v63  }
0x3fc: {  	v56 =	vperm.xlane v17, v14;
	v18 =	vadd.s32 v3, v55;
	s14 =	simm.s32 $0x6A80  }
0x3fd: {  	[tilespmem:s14], [sflag:$0x2] =	stream.indirect_vreg.gather [hbm4b:s11+s2], $0x80, v19, vm0, $0xb8;
	[tilespmem:$0xA280] =	vst v63  }
0x3fe: {  	v57 =	vperm.xlane v17, v15;
	v19 =	vadd.s32 v3, v56;
	s14 =	simm.s32 $0x6B00  }
0x3ff: {  	[tilespmem:s14], [sflag:$0x2] =	stream.indirect_vreg.gather [hbm4b:s11+s2], $0x80, v54, vm0, $0xb8;
	[tilespmem:$0xA280] =	vst v63  }
0x400: {  	v17 =	vperm.xlane v17, v16;
	v58 =	vadd.s32 v3, v57;
	s14 =	simm.s32 $0x6B80  }
0x401: {  	[tilespmem:s14], [sflag:$0x2] =	stream.indirect_vreg.gather [hbm4b:s11+s2], $0x80, v18, vm0, $0xb8;
	[tilespmem:$0xA280] =	vst v63  }
0x402: {  	v17 =	vadd.s32 v3, v17;
	s14 =	simm.s32 $0x6C00  }
0x403: {  	[tilespmem:s14], [sflag:$0x2] =	stream.indirect_vreg.gather [hbm4b:s11+s2], $0x80, v19, vm0, $0xb8;
	[tilespmem:$0xA280] =	vst v63  }
0x404: {  	s14 =	simm.s32 $0x6C80  }
0x405: {  	[tilespmem:s14], [sflag:$0x2] =	stream.indirect_vreg.gather [hbm4b:s11+s2], $0x80, v58, vm0, $0xb8;
	[tilespmem:$0xA280] =	vst v63  }
0x406: {  	s14 =	simm.s32 $0x6D00  }
0x407: {  	[tilespmem:s14], [sflag:$0x2] =	stream.indirect_vreg.gather [hbm4b:s11+s2], $0x80, v17, vm0, $0xb8;
	[tilespmem:$0xA280] =	vst v63  }
0x408: {  	v17 =	vld [tilespmem:s6+$0xFFFFFFC0];
	_ =	sdelay $0x4  }
0x409: {  	v18 =	vshrl.u32 v17, $0x3  }
0x40a: {  	v18 =	vmul.u32 $0x1870, v18  }
0x40b: {  	v17 =	vand.u32 $0x7, v17  }
0x40c: {  	v17 =	vor.u32 v17, v18  }
0x40d: {  	v18 =	vperm.xlane v17, v2;
	_ =	sdelay $0x1  }
0x40e: {  	v19 =	vperm.xlane v17, v4;
	v18 =	vadd.s32 v3, v18;
	_ =	sdelay $0x1  }
0x40f: {  	v59 =	vperm.xlane v17, v5;
	v19 =	vadd.s32 v3, v19;
	_ =	sdelay $0x1  }
0x410: {  	s14 =	simm.s32 $0x6D80;
	v60 =	vperm.xlane v17, v0;
	v20 =	vadd.s32 v3, v59  }
0x411: {  	[tilespmem:s14], [sflag:$0x2] =	stream.indirect_vreg.gather [hbm4b:s11+s2], $0x80, v18, vm0, $0xb8;
	[tilespmem:$0xA280] =	vst v63  }
0x412: {  	v61 =	vperm.xlane v17, v6;
	v18 =	vadd.s32 v3, v60;
	s14 =	simm.s32 $0x6E00  }
0x413: {  	[tilespmem:s14], [sflag:$0x2] =	stream.indirect_vreg.gather [hbm4b:s11+s2], $0x80, v19, vm0, $0xb8;
	[tilespmem:$0xA280] =	vst v63  }
0x414: {  	v62 =	vperm.xlane v17, v7;
	v19 =	vadd.s32 v3, v61;
	s14 =	simm.s32 $0x6E80  }
0x415: {  	[tilespmem:s14], [sflag:$0x2] =	stream.indirect_vreg.gather [hbm4b:s11+s2], $0x80, v20, vm0, $0xb8;
	[tilespmem:$0xA280] =	vst v63  }
0x416: {  	v24 =	vperm.xlane v17, v8;
	v63 =	vadd.s32 v3, v62;
	s14 =	simm.s32 $0x6F00  }
0x417: {  	[tilespmem:s14], [sflag:$0x2] =	stream.indirect_vreg.gather [hbm4b:s11+s2], $0x80, v18, vm0, $0xb8;
	[tilespmem:$0xA280] =	vst v63  }
0x418: {  	v25 =	vperm.xlane v17, v1;
	v18 =	vadd.s32 v3, v24;
	s14 =	simm.s32 $0x6F80  }
0x419: {  	[tilespmem:s14], [sflag:$0x2] =	stream.indirect_vreg.gather [hbm4b:s11+s2], $0x80, v19, vm0, $0xb8;
	[tilespmem:$0xA280] =	vst v63  }
0x41a: {  	v26 =	vperm.xlane v17, v9;
	v19 =	vadd.s32 v3, v25;
	s14 =	simm.s32 $0x7000  }
0x41b: {  	[tilespmem:s14], [sflag:$0x2] =	stream.indirect_vreg.gather [hbm4b:s11+s2], $0x80, v63, vm0, $0xb8;
	[tilespmem:$0xA280] =	vst v63  }
0x41c: {  	v28 =	vperm.xlane v17, v10;
	v27 =	vadd.s32 v3, v26;
	s14 =	simm.s32 $0x7080  }
0x41d: {  	[tilespmem:s14], [sflag:$0x2] =	stream.indirect_vreg.gather [hbm4b:s11+s2], $0x80, v18, vm0, $0xb8;
	[tilespmem:$0xA280] =	vst v63  }
0x41e: {  	v29 =	vperm.xlane v17, v11;
	v18 =	vadd.s32 v3, v28;
	s14 =	simm.s32 $0x7100  }
0x41f: {  	[tilespmem:s14], [sflag:$0x2] =	stream.indirect_vreg.gather [hbm4b:s11+s2], $0x80, v19, vm0, $0xb8;
	[tilespmem:$0xA280] =	vst v63  }
0x420: {  	v30 =	vperm.xlane v17, v12;
	v19 =	vadd.s32 v3, v29;
	s14 =	simm.s32 $0x7180  }
0x421: {  	[tilespmem:s14], [sflag:$0x2] =	stream.indirect_vreg.gather [hbm4b:s11+s2], $0x80, v27, vm0, $0xb8;
	[tilespmem:$0xA280] =	vst v63  }
0x422: {  	v32 =	vperm.xlane v17, v13;
	v31 =	vadd.s32 v3, v30;
	s14 =	simm.s32 $0x7200  }
0x423: {  	[tilespmem:s14], [sflag:$0x2] =	stream.indirect_vreg.gather [hbm4b:s11+s2], $0x80, v18, vm0, $0xb8;
	[tilespmem:$0xA280] =	vst v63  }
0x424: {  	v33 =	vperm.xlane v17, v14;
	v18 =	vadd.s32 v3, v32;
	s14 =	simm.s32 $0x7280  }
0x425: {  	[tilespmem:s14], [sflag:$0x2] =	stream.indirect_vreg.gather [hbm4b:s11+s2], $0x80, v19, vm0, $0xb8;
	[tilespmem:$0xA280] =	vst v63  }
0x426: {  	v34 =	vperm.xlane v17, v15;
	v19 =	vadd.s32 v3, v33;
	s14 =	simm.s32 $0x7300  }
0x427: {  	[tilespmem:s14], [sflag:$0x2] =	stream.indirect_vreg.gather [hbm4b:s11+s2], $0x80, v31, vm0, $0xb8;
	[tilespmem:$0xA280] =	vst v63  }
0x428: {  	v17 =	vperm.xlane v17, v16;
	v35 =	vadd.s32 v3, v34;
	s14 =	simm.s32 $0x7380  }
0x429: {  	[tilespmem:s14], [sflag:$0x2] =	stream.indirect_vreg.gather [hbm4b:s11+s2], $0x80, v18, vm0, $0xb8;
	[tilespmem:$0xA280] =	vst v63  }
0x42a: {  	v17 =	vadd.s32 v3, v17;
	s14 =	simm.s32 $0x7400  }
0x42b: {  	[tilespmem:s14], [sflag:$0x2] =	stream.indirect_vreg.gather [hbm4b:s11+s2], $0x80, v19, vm0, $0xb8;
	[tilespmem:$0xA280] =	vst v63  }
0x42c: {  	s14 =	simm.s32 $0x7480  }
0x42d: {  	[tilespmem:s14], [sflag:$0x2] =	stream.indirect_vreg.gather [hbm4b:s11+s2], $0x80, v35, vm0, $0xb8;
	[tilespmem:$0xA280] =	vst v63  }
0x42e: {  	s14 =	simm.s32 $0x7500  }
0x42f: {  	[tilespmem:s14], [sflag:$0x2] =	stream.indirect_vreg.gather [hbm4b:s11+s2], $0x80, v17, vm0, $0xb8;
	[tilespmem:$0xA280] =	vst v63  }
0x430: {  	v17 =	vld [tilespmem:s6+$0xFFFFFFD0];
	_ =	sdelay $0x4  }
0x431: {  	v18 =	vshrl.u32 v17, $0x3  }
0x432: {  	v18 =	vmul.u32 $0x1870, v18  }
0x433: {  	v17 =	vand.u32 $0x7, v17  }
0x434: {  	v17 =	vor.u32 v17, v18  }
0x435: {  	v18 =	vperm.xlane v17, v2;
	_ =	sdelay $0x1  }
0x436: {  	v19 =	vperm.xlane v17, v4;
	v18 =	vadd.s32 v3, v18;
	_ =	sdelay $0x1  }
0x437: {  	v36 =	vperm.xlane v17, v5;
	v19 =	vadd.s32 v3, v19;
	_ =	sdelay $0x1  }
0x438: {  	s14 =	simm.s32 $0x7580;
	v37 =	vperm.xlane v17, v0;
	v20 =	vadd.s32 v3, v36  }
0x439: {  	[tilespmem:s14], [sflag:$0x2] =	stream.indirect_vreg.gather [hbm4b:s11+s2], $0x80, v18, vm0, $0xb8;
	[tilespmem:$0xA280] =	vst v63  }
0x43a: {  	v38 =	vperm.xlane v17, v6;
	v18 =	vadd.s32 v3, v37;
	s14 =	simm.s32 $0x7600  }
0x43b: {  	[tilespmem:s14], [sflag:$0x2] =	stream.indirect_vreg.gather [hbm4b:s11+s2], $0x80, v19, vm0, $0xb8;
	[tilespmem:$0xA280] =	vst v63  }
0x43c: {  	v39 =	vperm.xlane v17, v7;
	v19 =	vadd.s32 v3, v38;
	s14 =	simm.s32 $0x7680  }
0x43d: {  	[tilespmem:s14], [sflag:$0x2] =	stream.indirect_vreg.gather [hbm4b:s11+s2], $0x80, v20, vm0, $0xb8;
	[tilespmem:$0xA280] =	vst v63  }
0x43e: {  	v41 =	vperm.xlane v17, v8;
	v40 =	vadd.s32 v3, v39;
	s14 =	simm.s32 $0x7700  }
0x43f: {  	[tilespmem:s14], [sflag:$0x2] =	stream.indirect_vreg.gather [hbm4b:s11+s2], $0x80, v18, vm0, $0xb8;
	[tilespmem:$0xA280] =	vst v63  }
0x440: {  	v42 =	vperm.xlane v17, v1;
	v18 =	vadd.s32 v3, v41;
	s14 =	simm.s32 $0x7780  }
0x441: {  	[tilespmem:s14], [sflag:$0x2] =	stream.indirect_vreg.gather [hbm4b:s11+s2], $0x80, v19, vm0, $0xb8;
	[tilespmem:$0xA280] =	vst v63  }
0x442: {  	v43 =	vperm.xlane v17, v9;
	v19 =	vadd.s32 v3, v42;
	s14 =	simm.s32 $0x7800  }
0x443: {  	[tilespmem:s14], [sflag:$0x2] =	stream.indirect_vreg.gather [hbm4b:s11+s2], $0x80, v40, vm0, $0xb8;
	[tilespmem:$0xA280] =	vst v63  }
0x444: {  	v45 =	vperm.xlane v17, v10;
	v44 =	vadd.s32 v3, v43;
	s14 =	simm.s32 $0x7880  }
0x445: {  	[tilespmem:s14], [sflag:$0x2] =	stream.indirect_vreg.gather [hbm4b:s11+s2], $0x80, v18, vm0, $0xb8;
	[tilespmem:$0xA280] =	vst v63  }
0x446: {  	v46 =	vperm.xlane v17, v11;
	v18 =	vadd.s32 v3, v45;
	s14 =	simm.s32 $0x7900  }
0x447: {  	[tilespmem:s14], [sflag:$0x2] =	stream.indirect_vreg.gather [hbm4b:s11+s2], $0x80, v19, vm0, $0xb8;
	[tilespmem:$0xA280] =	vst v63  }
0x448: {  	v47 =	vperm.xlane v17, v12;
	v19 =	vadd.s32 v3, v46;
	s14 =	simm.s32 $0x7980  }
0x449: {  	[tilespmem:s14], [sflag:$0x2] =	stream.indirect_vreg.gather [hbm4b:s11+s2], $0x80, v44, vm0, $0xb8;
	[tilespmem:$0xA280] =	vst v63  }
0x44a: {  	v49 =	vperm.xlane v17, v13;
	v48 =	vadd.s32 v3, v47;
	s14 =	simm.s32 $0x7A00  }
0x44b: {  	[tilespmem:s14], [sflag:$0x2] =	stream.indirect_vreg.gather [hbm4b:s11+s2], $0x80, v18, vm0, $0xb8;
	[tilespmem:$0xA280] =	vst v63  }
0x44c: {  	v50 =	vperm.xlane v17, v14;
	v18 =	vadd.s32 v3, v49;
	s14 =	simm.s32 $0x7A80  }
0x44d: {  	[tilespmem:s14], [sflag:$0x2] =	stream.indirect_vreg.gather [hbm4b:s11+s2], $0x80, v19, vm0, $0xb8;
	[tilespmem:$0xA280] =	vst v63  }
0x44e: {  	v51 =	vperm.xlane v17, v15;
	v19 =	vadd.s32 v3, v50;
	s14 =	simm.s32 $0x7B00  }
0x44f: {  	[tilespmem:s14], [sflag:$0x2] =	stream.indirect_vreg.gather [hbm4b:s11+s2], $0x80, v48, vm0, $0xb8;
	[tilespmem:$0xA280] =	vst v63  }
0x450: {  	v17 =	vperm.xlane v17, v16;
	v52 =	vadd.s32 v3, v51;
	s14 =	simm.s32 $0x7B80  }
0x451: {  	[tilespmem:s14], [sflag:$0x2] =	stream.indirect_vreg.gather [hbm4b:s11+s2], $0x80, v18, vm0, $0xb8;
	[tilespmem:$0xA280] =	vst v63  }
0x452: {  	v17 =	vadd.s32 v3, v17;
	s14 =	simm.s32 $0x7C00  }
0x453: {  	[tilespmem:s14], [sflag:$0x2] =	stream.indirect_vreg.gather [hbm4b:s11+s2], $0x80, v19, vm0, $0xb8;
	[tilespmem:$0xA280] =	vst v63  }
0x454: {  	s14 =	simm.s32 $0x7C80  }
0x455: {  	[tilespmem:s14], [sflag:$0x2] =	stream.indirect_vreg.gather [hbm4b:s11+s2], $0x80, v52, vm0, $0xb8;
	[tilespmem:$0xA280] =	vst v63  }
0x456: {  	s14 =	simm.s32 $0x7D00  }
0x457: {  	[tilespmem:s14], [sflag:$0x2] =	stream.indirect_vreg.gather [hbm4b:s11+s2], $0x80, v17, vm0, $0xb8;
	[tilespmem:$0xA280] =	vst v63  }
0x458: {  	v17 =	vld [tilespmem:s6+$0xFFFFFFE0];
	_ =	sdelay $0x4  }
0x459: {  	v18 =	vshrl.u32 v17, $0x3  }
0x45a: {  	v18 =	vmul.u32 $0x1870, v18  }
0x45b: {  	v17 =	vand.u32 $0x7, v17  }
0x45c: {  	v17 =	vor.u32 v17, v18  }
0x45d: {  	v18 =	vperm.xlane v17, v2;
	_ =	sdelay $0x1  }
0x45e: {  	v19 =	vperm.xlane v17, v4;
	v18 =	vadd.s32 v3, v18;
	_ =	sdelay $0x1  }
0x45f: {  	v53 =	vperm.xlane v17, v5;
	v19 =	vadd.s32 v3, v19;
	_ =	sdelay $0x1  }
0x460: {  	s14 =	simm.s32 $0x7D80;
	v54 =	vperm.xlane v17, v0;
	v20 =	vadd.s32 v3, v53  }
0x461: {  	[tilespmem:s14], [sflag:$0x2] =	stream.indirect_vreg.gather [hbm4b:s11+s2], $0x80, v18, vm0, $0xb8;
	[tilespmem:$0xA280] =	vst v63  }
0x462: {  	v55 =	vperm.xlane v17, v6;
	v18 =	vadd.s32 v3, v54;
	s14 =	simm.s32 $0x7E00  }
0x463: {  	[tilespmem:s14], [sflag:$0x2] =	stream.indirect_vreg.gather [hbm4b:s11+s2], $0x80, v19, vm0, $0xb8;
	[tilespmem:$0xA280] =	vst v63  }
0x464: {  	v56 =	vperm.xlane v17, v7;
	v19 =	vadd.s32 v3, v55;
	s14 =	simm.s32 $0x7E80  }
0x465: {  	[tilespmem:s14], [sflag:$0x2] =	stream.indirect_vreg.gather [hbm4b:s11+s2], $0x80, v20, vm0, $0xb8;
	[tilespmem:$0xA280] =	vst v63  }
0x466: {  	v58 =	vperm.xlane v17, v8;
	v57 =	vadd.s32 v3, v56;
	s14 =	simm.s32 $0x7F00  }
0x467: {  	[tilespmem:s14], [sflag:$0x2] =	stream.indirect_vreg.gather [hbm4b:s11+s2], $0x80, v18, vm0, $0xb8;
	[tilespmem:$0xA280] =	vst v63  }
0x468: {  	v59 =	vperm.xlane v17, v1;
	v18 =	vadd.s32 v3, v58;
	s14 =	simm.s32 $0x7F80  }
0x469: {  	[tilespmem:s14], [sflag:$0x2] =	stream.indirect_vreg.gather [hbm4b:s11+s2], $0x80, v19, vm0, $0xb8;
	[tilespmem:$0xA280] =	vst v63  }
0x46a: {  	v60 =	vperm.xlane v17, v9;
	v19 =	vadd.s32 v3, v59;
	s14 =	simm.s32 $0x8000  }
0x46b: {  	[tilespmem:s14], [sflag:$0x2] =	stream.indirect_vreg.gather [hbm4b:s11+s2], $0x80, v57, vm0, $0xb8;
	[tilespmem:$0xA280] =	vst v63  }
0x46c: {  	v62 =	vperm.xlane v17, v10;
	v61 =	vadd.s32 v3, v60;
	s14 =	simm.s32 $0x8080  }
0x46d: {  	[tilespmem:s14], [sflag:$0x2] =	stream.indirect_vreg.gather [hbm4b:s11+s2], $0x80, v18, vm0, $0xb8;
	[tilespmem:$0xA280] =	vst v63  }
0x46e: {  	v63 =	vperm.xlane v17, v11;
	v18 =	vadd.s32 v3, v62;
	s14 =	simm.s32 $0x8100  }
0x46f: {  	[tilespmem:s14], [sflag:$0x2] =	stream.indirect_vreg.gather [hbm4b:s11+s2], $0x80, v19, vm0, $0xb8;
	[tilespmem:$0xA280] =	vst v63  }
0x470: {  	v24 =	vperm.xlane v17, v12;
	v19 =	vadd.s32 v3, v63;
	s14 =	simm.s32 $0x8180  }
0x471: {  	[tilespmem:s14], [sflag:$0x2] =	stream.indirect_vreg.gather [hbm4b:s11+s2], $0x80, v61, vm0, $0xb8;
	[tilespmem:$0xA280] =	vst v63  }
0x472: {  	v26 =	vperm.xlane v17, v13;
	v25 =	vadd.s32 v3, v24;
	s14 =	simm.s32 $0x8200  }
0x473: {  	[tilespmem:s14], [sflag:$0x2] =	stream.indirect_vreg.gather [hbm4b:s11+s2], $0x80, v18, vm0, $0xb8;
	[tilespmem:$0xA280] =	vst v63  }
0x474: {  	v27 =	vperm.xlane v17, v14;
	v18 =	vadd.s32 v3, v26;
	s14 =	simm.s32 $0x8280  }
0x475: {  	[tilespmem:s14], [sflag:$0x2] =	stream.indirect_vreg.gather [hbm4b:s11+s2], $0x80, v19, vm0, $0xb8;
	[tilespmem:$0xA280] =	vst v63  }
0x476: {  	v28 =	vperm.xlane v17, v15;
	v19 =	vadd.s32 v3, v27;
	s14 =	simm.s32 $0x8300  }
0x477: {  	[tilespmem:s14], [sflag:$0x2] =	stream.indirect_vreg.gather [hbm4b:s11+s2], $0x80, v25, vm0, $0xb8;
	[tilespmem:$0xA280] =	vst v63  }
0x478: {  	v17 =	vperm.xlane v17, v16;
	v29 =	vadd.s32 v3, v28;
	s14 =	simm.s32 $0x8380  }
0x479: {  	[tilespmem:s14], [sflag:$0x2] =	stream.indirect_vreg.gather [hbm4b:s11+s2], $0x80, v18, vm0, $0xb8;
	[tilespmem:$0xA280] =	vst v63  }
0x47a: {  	v17 =	vadd.s32 v3, v17;
	s14 =	simm.s32 $0x8400  }
0x47b: {  	[tilespmem:s14], [sflag:$0x2] =	stream.indirect_vreg.gather [hbm4b:s11+s2], $0x80, v19, vm0, $0xb8;
	[tilespmem:$0xA280] =	vst v63  }
0x47c: {  	s14 =	simm.s32 $0x8480  }
0x47d: {  	[tilespmem:s14], [sflag:$0x2] =	stream.indirect_vreg.gather [hbm4b:s11+s2], $0x80, v29, vm0, $0xb8;
	[tilespmem:$0xA280] =	vst v63  }
0x47e: {  	s14 =	simm.s32 $0x8500  }
0x47f: {  	[tilespmem:s14], [sflag:$0x2] =	stream.indirect_vreg.gather [hbm4b:s11+s2], $0x80, v17, vm0, $0xb8;
	[tilespmem:$0xA280] =	vst v63  }
0x480: {  	v17 =	vld [tilespmem:s6+$0xFFFFFFF0];
	_ =	sdelay $0x4  }
0x481: {  	v18 =	vshrl.u32 v17, $0x3  }
0x482: {  	v18 =	vmul.u32 $0x1870, v18  }
0x483: {  	v17 =	vand.u32 $0x7, v17  }
0x484: {  	v17 =	vor.u32 v17, v18  }
0x485: {  	v18 =	vperm.xlane v17, v2;
	_ =	sdelay $0x1  }
0x486: {  	v19 =	vperm.xlane v17, v4;
	v18 =	vadd.s32 v3, v18;
	_ =	sdelay $0x1  }
0x487: {  	v30 =	vperm.xlane v17, v5;
	v19 =	vadd.s32 v3, v19;
	_ =	sdelay $0x1  }
0x488: {  	s14 =	simm.s32 $0x8580;
	v31 =	vperm.xlane v17, v0;
	v20 =	vadd.s32 v3, v30  }
0x489: {  	[tilespmem:s14], [sflag:$0x2] =	stream.indirect_vreg.gather [hbm4b:s11+s2], $0x80, v18, vm0, $0xb8;
	[tilespmem:$0xA280] =	vst v63  }
0x48a: {  	v32 =	vperm.xlane v17, v6;
	v18 =	vadd.s32 v3, v31;
	s14 =	simm.s32 $0x8600  }
0x48b: {  	[tilespmem:s14], [sflag:$0x2] =	stream.indirect_vreg.gather [hbm4b:s11+s2], $0x80, v19, vm0, $0xb8;
	[tilespmem:$0xA280] =	vst v63  }
0x48c: {  	v33 =	vperm.xlane v17, v7;
	v19 =	vadd.s32 v3, v32;
	s14 =	simm.s32 $0x8680  }
0x48d: {  	[tilespmem:s14], [sflag:$0x2] =	stream.indirect_vreg.gather [hbm4b:s11+s2], $0x80, v20, vm0, $0xb8;
	[tilespmem:$0xA280] =	vst v63  }
0x48e: {  	v35 =	vperm.xlane v17, v8;
	v34 =	vadd.s32 v3, v33;
	s14 =	simm.s32 $0x8700  }
0x48f: {  	[tilespmem:s14], [sflag:$0x2] =	stream.indirect_vreg.gather [hbm4b:s11+s2], $0x80, v18, vm0, $0xb8;
	[tilespmem:$0xA280] =	vst v63  }
0x490: {  	v36 =	vperm.xlane v17, v1;
	v18 =	vadd.s32 v3, v35;
	s14 =	simm.s32 $0x8780  }
0x491: {  	[tilespmem:s14], [sflag:$0x2] =	stream.indirect_vreg.gather [hbm4b:s11+s2], $0x80, v19, vm0, $0xb8;
	[tilespmem:$0xA280] =	vst v63  }
0x492: {  	v37 =	vperm.xlane v17, v9;
	v19 =	vadd.s32 v3, v36;
	s14 =	simm.s32 $0x8800  }
0x493: {  	[tilespmem:s14], [sflag:$0x2] =	stream.indirect_vreg.gather [hbm4b:s11+s2], $0x80, v34, vm0, $0xb8;
	[tilespmem:$0xA280] =	vst v63  }
0x494: {  	v39 =	vperm.xlane v17, v10;
	v38 =	vadd.s32 v3, v37;
	s14 =	simm.s32 $0x8880  }
0x495: {  	[tilespmem:s14], [sflag:$0x2] =	stream.indirect_vreg.gather [hbm4b:s11+s2], $0x80, v18, vm0, $0xb8;
	[tilespmem:$0xA280] =	vst v63  }
0x496: {  	v40 =	vperm.xlane v17, v11;
	v18 =	vadd.s32 v3, v39;
	s14 =	simm.s32 $0x8900  }
0x497: {  	[tilespmem:s14], [sflag:$0x2] =	stream.indirect_vreg.gather [hbm4b:s11+s2], $0x80, v19, vm0, $0xb8;
	[tilespmem:$0xA280] =	vst v63  }
0x498: {  	v41 =	vperm.xlane v17, v12;
	v19 =	vadd.s32 v3, v40;
	s14 =	simm.s32 $0x8980  }
0x499: {  	[tilespmem:s14], [sflag:$0x2] =	stream.indirect_vreg.gather [hbm4b:s11+s2], $0x80, v38, vm0, $0xb8;
	[tilespmem:$0xA280] =	vst v63  }
0x49a: {  	v43 =	vperm.xlane v17, v13;
	v42 =	vadd.s32 v3, v41;
	s14 =	simm.s32 $0x8A00  }
0x49b: {  	[tilespmem:s14], [sflag:$0x2] =	stream.indirect_vreg.gather [hbm4b:s11+s2], $0x80, v18, vm0, $0xb8;
	[tilespmem:$0xA280] =	vst v63  }
0x49c: {  	v44 =	vperm.xlane v17, v14;
	v18 =	vadd.s32 v3, v43;
	s14 =	simm.s32 $0x8A80  }
0x49d: {  	[tilespmem:s14], [sflag:$0x2] =	stream.indirect_vreg.gather [hbm4b:s11+s2], $0x80, v19, vm0, $0xb8;
	[tilespmem:$0xA280] =	vst v63  }
0x49e: {  	v45 =	vperm.xlane v17, v15;
	v19 =	vadd.s32 v3, v44;
	s14 =	simm.s32 $0x8B00  }
0x49f: {  	[tilespmem:s14], [sflag:$0x2] =	stream.indirect_vreg.gather [hbm4b:s11+s2], $0x80, v42, vm0, $0xb8;
	[tilespmem:$0xA280] =	vst v63  }
0x4a0: {  	v17 =	vperm.xlane v17, v16;
	v46 =	vadd.s32 v3, v45;
	s14 =	simm.s32 $0x8B80  }
0x4a1: {  	[tilespmem:s14], [sflag:$0x2] =	stream.indirect_vreg.gather [hbm4b:s11+s2], $0x80, v18, vm0, $0xb8;
	[tilespmem:$0xA280] =	vst v63  }
0x4a2: {  	v17 =	vadd.s32 v3, v17;
	s14 =	simm.s32 $0x8C00  }
0x4a3: {  	[tilespmem:s14], [sflag:$0x2] =	stream.indirect_vreg.gather [hbm4b:s11+s2], $0x80, v19, vm0, $0xb8;
	[tilespmem:$0xA280] =	vst v63  }
0x4a4: {  	s14 =	simm.s32 $0x8C80  }
0x4a5: {  	[tilespmem:s14], [sflag:$0x2] =	stream.indirect_vreg.gather [hbm4b:s11+s2], $0x80, v46, vm0, $0xb8;
	[tilespmem:$0xA280] =	vst v63  }
0x4a6: {  	s14 =	simm.s32 $0x8D00  }
0x4a7: {  	[tilespmem:s14], [sflag:$0x2] =	stream.indirect_vreg.gather [hbm4b:s11+s2], $0x80, v17, vm0, $0xb8;
	[tilespmem:$0xA280] =	vst v63  }
0x4a8: {  	v17 =	vld [tilespmem:s6+$0x0];
	_ =	sdelay $0x4  }
0x4a9: {  	v18 =	vshrl.u32 v17, $0x3  }
0x4aa: {  	v18 =	vmul.u32 $0x1870, v18  }
0x4ab: {  	v17 =	vand.u32 $0x7, v17  }
0x4ac: {  	v17 =	vor.u32 v17, v18  }
0x4ad: {  	v18 =	vperm.xlane v17, v2;
	_ =	sdelay $0x1  }
0x4ae: {  	v19 =	vperm.xlane v17, v4;
	v18 =	vadd.s32 v3, v18;
	_ =	sdelay $0x1  }
0x4af: {  	v47 =	vperm.xlane v17, v5;
	v19 =	vadd.s32 v3, v19;
	_ =	sdelay $0x1  }
0x4b0: {  	s14 =	simm.s32 $0x8D80;
	v48 =	vperm.xlane v17, v0;
	v20 =	vadd.s32 v3, v47  }
0x4b1: {  	[tilespmem:s14], [sflag:$0x2] =	stream.indirect_vreg.gather [hbm4b:s11+s2], $0x80, v18, vm0, $0xb8;
	[tilespmem:$0xA280] =	vst v63  }
0x4b2: {  	v49 =	vperm.xlane v17, v6;
	v18 =	vadd.s32 v3, v48;
	s14 =	simm.s32 $0x8E00  }
0x4b3: {  	[tilespmem:s14], [sflag:$0x2] =	stream.indirect_vreg.gather [hbm4b:s11+s2], $0x80, v19, vm0, $0xb8;
	[tilespmem:$0xA280] =	vst v63  }
0x4b4: {  	v50 =	vperm.xlane v17, v7;
	v19 =	vadd.s32 v3, v49;
	s14 =	simm.s32 $0x8E80  }
0x4b5: {  	[tilespmem:s14], [sflag:$0x2] =	stream.indirect_vreg.gather [hbm4b:s11+s2], $0x80, v20, vm0, $0xb8;
	[tilespmem:$0xA280] =	vst v63  }
0x4b6: {  	v52 =	vperm.xlane v17, v8;
	v51 =	vadd.s32 v3, v50;
	s14 =	simm.s32 $0x8F00  }
0x4b7: {  	[tilespmem:s14], [sflag:$0x2] =	stream.indirect_vreg.gather [hbm4b:s11+s2], $0x80, v18, vm0, $0xb8;
	[tilespmem:$0xA280] =	vst v63  }
0x4b8: {  	v53 =	vperm.xlane v17, v1;
	v18 =	vadd.s32 v3, v52;
	s14 =	simm.s32 $0x8F80  }
0x4b9: {  	[tilespmem:s14], [sflag:$0x2] =	stream.indirect_vreg.gather [hbm4b:s11+s2], $0x80, v19, vm0, $0xb8;
	[tilespmem:$0xA280] =	vst v63  }
0x4ba: {  	v54 =	vperm.xlane v17, v9;
	v19 =	vadd.s32 v3, v53;
	s14 =	simm.s32 $0x9000  }
0x4bb: {  	[tilespmem:s14], [sflag:$0x2] =	stream.indirect_vreg.gather [hbm4b:s11+s2], $0x80, v51, vm0, $0xb8;
	[tilespmem:$0xA280] =	vst v63  }
0x4bc: {  	v56 =	vperm.xlane v17, v10;
	v55 =	vadd.s32 v3, v54  }
0x4bd: {  	[tilespmem:s22], [sflag:$0x2] =	stream.indirect_vreg.gather [hbm4b:s11+s2], $0x80, v18, vm0, $0xb8;
	[tilespmem:$0xA280] =	vst v63  }
0x4be: {  	v57 =	vperm.xlane v17, v11;
	v18 =	vadd.s32 v3, v56  }
0x4bf: {  	[tilespmem:s28], [sflag:$0x2] =	stream.indirect_vreg.gather [hbm4b:s11+s2], $0x80, v19, vm0, $0xb8;
	[tilespmem:$0xA280] =	vst v63  }
0x4c0: {  	v58 =	vperm.xlane v17, v12;
	v19 =	vadd.s32 v3, v57  }
0x4c1: {  	[tilespmem:s16], [sflag:$0x2] =	stream.indirect_vreg.gather [hbm4b:s11+s2], $0x80, v55, vm0, $0xb8;
	[tilespmem:$0xA280] =	vst v63  }
0x4c2: {  	v60 =	vperm.xlane v17, v13;
	v59 =	vadd.s32 v3, v58  }
0x4c3: {  	[tilespmem:s20], [sflag:$0x2] =	stream.indirect_vreg.gather [hbm4b:s11+s2], $0x80, v18, vm0, $0xb8;
	[tilespmem:$0xA280] =	vst v63  }
0x4c4: {  	v61 =	vperm.xlane v17, v14;
	v18 =	vadd.s32 v3, v60  }
0x4c5: {  	[tilespmem:s25], [sflag:$0x2] =	stream.indirect_vreg.gather [hbm4b:s11+s2], $0x80, v19, vm0, $0xb8;
	[tilespmem:$0xA280] =	vst v63  }
0x4c6: {  	v19 =	vadd.s32 v3, v61  }
0x4c7: {  	v62 =	vperm.xlane v17, v15;
	[tilespmem:s30], [sflag:$0x2] =	stream.indirect_vreg.gather [hbm4b:s11+s2], $0x80, v59, vm0, $0xb8;
	[tilespmem:$0xA280] =	vst v63  }
0x4c8: {  	_ = 	snop  }
0x4c9: {  	v17 =	vperm.xlane v17, v16;
	v63 =	vadd.s32 v3, v62;
	[tilespmem:s1], [sflag:$0x2] =	stream.indirect_vreg.gather [hbm4b:s11+s2], $0x80, v18, vm0, $0xb8;
	[tilespmem:$0xA280] =	vst v63  }
0x4ca: {  	p0 =	sne.s32 s10, $0x2C00  }
0x4cb: {  	v17 =	vadd.s32 v3, v17;
	[tilespmem:s17], [sflag:$0x2] =	stream.indirect_vreg.gather [hbm4b:s11+s2], $0x80, v19, vm0, $0xb8;
	[tilespmem:$0xA280] =	vst v63  }
.Ltmp0:
0x4cc: {  	_ = 	snop;
	(pc) =	sbr.rel @p0 .LBB2_2-.Ltmp0, $4  }
0x4cd: {  	_ = 	snop  }
0x4ce: {  	[tilespmem:s13], [sflag:$0x2] =	stream.indirect_vreg.gather [hbm4b:s11+s2], $0x80, v63, vm0, $0xb8;
	[tilespmem:$0xA280] =	vst v63  }
0x4cf: {  	s9 =	sadd.s32 $0x2, s9;
	s10 =	sadd.s32 $0x400, s10;
	s6 =	sadd.s32 $0xE0, s6  }
0x4d0: {  	[tilespmem:s19], [sflag:$0x2] =	stream.indirect_vreg.gather [hbm4b:s11+s2], $0x80, v17, vm0, $0xb8;
	[tilespmem:$0xA280] =	vst v63  }
0x4d1: {  	_ =	swait.ge [sflag:s4], $0x3800  }
0x4d2: {  	[sflag:s4] =	ssyncset.done $0x0  }
0x4d3: {  	[sflag:s4] =	ssyncadd.s32 $0xFFFFC800  }
0x4d4: {  	v17 =	vld [tilespmem:$0x1780]  }
0x4d5: {  	v18 =	vld [tilespmem:$0x2480];
	_ =	sdelay $0x4  }
0x4d6: {  	v20 =	vld [tilespmem:$0x1790];
	v19 =	vand.u32 $0xFFFFFF80, v18;
	v17 =	vshll.u32 v17, $0x7  }
0x4d7: {  	v18 =	vand.u32 $0x7F, v18;
	v17 =	vadd.s32 v17, v19;
	v19 =	vld [tilespmem:$0x2490]  }
0x4d8: {  	v17 =	vor.u32 v18, v17;
	_ =	sdelay $0x3  }
0x4d9: {  	v46 =	vld [tilespmem:$0x24A0];
	v20 =	vshll.u32 v20, $0x7;
	v18 =	vand.u32 $0xFFFFFF80, v19  }
0x4da: {  	v19 =	vand.u32 $0x7F, v19;
	v17 =	vld.idx.msk [tilespmem:v17+s15+$0x0], $0xffff;
	v18 =	vadd.s32 v20, v18  }
0x4db: {  	v18 =	vor.u32 v19, v18;
	v19 =	vld [tilespmem:$0x17A0];
	_ =	sdelay $0x3  }
0x4dc: {  	v21 =	vld [tilespmem:$0x17B0];
	[tilespmem:$0xA180] =	vst v17  }
0x4dd: {  	v17 =	vld.idx.msk [tilespmem:v18+s15+$0x0], $0xffff;
	v18 =	vand.u32 $0xFFFFFF80, v46;
	v19 =	vshll.u32 v19, $0x7  }
0x4de: {  	v20 =	vand.u32 $0x7F, v46;
	v18 =	vadd.s32 v19, v18;
	v19 =	vld [tilespmem:$0x24B0]  }
0x4df: {  	v18 =	vor.u32 v20, v18;
	_ =	sdelay $0x3  }
0x4e0: {  	v48 =	vld [tilespmem:$0x24C0];
	v47 =	vshll.u32 v21, $0x7;
	[tilespmem:$0xA190] =	vst v17;
	v17 =	vand.u32 $0xFFFFFF80, v19  }
0x4e1: {  	v19 =	vand.u32 $0x7F, v19;
	v18 =	vld.idx.msk [tilespmem:v18+s15+$0x0], $0xffff;
	v17 =	vadd.s32 v47, v17  }
0x4e2: {  	v17 =	vor.u32 v19, v17;
	v19 =	vld [tilespmem:$0x17C0];
	_ =	sdelay $0x3  }
0x4e3: {  	v49 =	vld [tilespmem:$0x17D0];
	[tilespmem:$0xA1A0] =	vst v18  }
0x4e4: {  	v18 =	vand.u32 $0xFFFFFF80, v48;
	v17 =	vld.idx.msk [tilespmem:v17+s15+$0x0], $0xffff;
	v19 =	vshll.u32 v19, $0x7  }
0x4e5: {  	v20 =	vand.u32 $0x7F, v48;
	v18 =	vadd.s32 v19, v18;
	v19 =	vld [tilespmem:$0x24D0]  }
0x4e6: {  	v18 =	vor.u32 v20, v18;
	_ =	sdelay $0x3  }
0x4e7: {  	v51 =	vld [tilespmem:$0x24E0];
	v50 =	vshll.u32 v49, $0x7;
	[tilespmem:$0xA1B0] =	vst v17;
	v17 =	vand.u32 $0xFFFFFF80, v19  }
0x4e8: {  	v19 =	vand.u32 $0x7F, v19;
	v18 =	vld.idx.msk [tilespmem:v18+s15+$0x0], $0xffff;
	v17 =	vadd.s32 v50, v17  }
0x4e9: {  	v17 =	vor.u32 v19, v17;
	v19 =	vld [tilespmem:$0x17E0];
	_ =	sdelay $0x3  }
0x4ea: {  	v52 =	vld [tilespmem:$0x17F0];
	[tilespmem:$0xA1C0] =	vst v18  }
0x4eb: {  	v18 =	vand.u32 $0xFFFFFF80, v51;
	v17 =	vld.idx.msk [tilespmem:v17+s15+$0x0], $0xffff;
	v19 =	vshll.u32 v19, $0x7  }
0x4ec: {  	v20 =	vand.u32 $0x7F, v51;
	v18 =	vadd.s32 v19, v18;
	v19 =	vld [tilespmem:$0x24F0]  }
0x4ed: {  	v18 =	vor.u32 v20, v18;
	_ =	sdelay $0x3  }
0x4ee: {  	v53 =	vshll.u32 v52, $0x7;
	[tilespmem:$0xA1D0] =	vst v17;
	v17 =	vand.u32 $0xFFFFFF80, v19  }
0x4ef: {  	v19 =	vand.u32 $0x7F, v19;
	v18 =	vld.idx.msk [tilespmem:v18+s15+$0x0], $0xffff;
	v17 =	vadd.s32 v53, v17  }
0x4f0: {  	v17 =	vor.u32 v19, v17;
	_ =	sdelay $0x3  }
0x4f1: {  	[tilespmem:$0xA1E0] =	vst v18  }
0x4f2: {  	v17 =	vld.idx.msk [tilespmem:v17+s15+$0x0], $0xffff;
	_ =	sdelay $0x4  }
0x4f3: {  	[tilespmem:$0xA1F0] =	vst v17  }
0x4f4: {  	_ =	swait.ge [sflag:s5], $0x3800  }
0x4f5: {  	[sflag:s5] =	ssyncset.done $0x0  }
0x4f6: {  	[sflag:s5] =	ssyncadd.s32 $0xFFFFC800  }
0x4f7: {  	v17 =	vld [tilespmem:$0x1800]  }
0x4f8: {  	v18 =	vld [tilespmem:$0x2500];
	_ =	sdelay $0x4  }
0x4f9: {  	v54 =	vld [tilespmem:$0x1810];
	v19 =	vand.u32 $0xFFFFFF80, v18;
	v17 =	vshll.u32 v17, $0x7  }
0x4fa: {  	v18 =	vand.u32 $0x7F, v18;
	v17 =	vadd.s32 v17, v19;
	v19 =	vld [tilespmem:$0x2510]  }
0x4fb: {  	v17 =	vor.u32 v18, v17;
	_ =	sdelay $0x3  }
0x4fc: {  	v55 =	vld [tilespmem:$0x2520];
	v20 =	vshll.u32 v54, $0x7;
	v18 =	vand.u32 $0xFFFFFF80, v19  }
0x4fd: {  	v19 =	vand.u32 $0x7F, v19;
	v17 =	vld.idx.msk [tilespmem:v17+s23+$0x0], $0xffff;
	v18 =	vadd.s32 v20, v18  }
0x4fe: {  	v18 =	vor.u32 v19, v18;
	v19 =	vld [tilespmem:$0x1820];
	_ =	sdelay $0x3  }
0x4ff: {  	v56 =	vld [tilespmem:$0x1830];
	[tilespmem:$0xA200] =	vst v17  }
0x500: {  	v17 =	vld.idx.msk [tilespmem:v18+s23+$0x0], $0xffff;
	v18 =	vand.u32 $0xFFFFFF80, v55;
	v19 =	vshll.u32 v19, $0x7  }
0x501: {  	v20 =	vand.u32 $0x7F, v55;
	v18 =	vadd.s32 v19, v18;
	v19 =	vld [tilespmem:$0x2530]  }
0x502: {  	v18 =	vor.u32 v20, v18;
	_ =	sdelay $0x3  }
0x503: {  	v58 =	vld [tilespmem:$0x2540];
	v57 =	vshll.u32 v56, $0x7;
	[tilespmem:$0xA210] =	vst v17;
	v17 =	vand.u32 $0xFFFFFF80, v19  }
0x504: {  	v19 =	vand.u32 $0x7F, v19;
	v18 =	vld.idx.msk [tilespmem:v18+s23+$0x0], $0xffff;
	v17 =	vadd.s32 v57, v17  }
0x505: {  	v17 =	vor.u32 v19, v17;
	v19 =	vld [tilespmem:$0x1840];
	_ =	sdelay $0x3  }
0x506: {  	v59 =	vld [tilespmem:$0x1850];
	[tilespmem:$0xA220] =	vst v18  }
0x507: {  	v18 =	vand.u32 $0xFFFFFF80, v58;
	v17 =	vld.idx.msk [tilespmem:v17+s23+$0x0], $0xffff;
	v19 =	vshll.u32 v19, $0x7  }
0x508: {  	v20 =	vand.u32 $0x7F, v58;
	v18 =	vadd.s32 v19, v18;
	v19 =	vld [tilespmem:$0x2550]  }
0x509: {  	v18 =	vor.u32 v20, v18;
	_ =	sdelay $0x3  }
0x50a: {  	v61 =	vld [tilespmem:$0x2560];
	v60 =	vshll.u32 v59, $0x7;
	[tilespmem:$0xA230] =	vst v17;
	v17 =	vand.u32 $0xFFFFFF80, v19  }
0x50b: {  	v19 =	vand.u32 $0x7F, v19;
	v18 =	vld.idx.msk [tilespmem:v18+s23+$0x0], $0xffff;
	v17 =	vadd.s32 v60, v17  }
0x50c: {  	v17 =	vor.u32 v19, v17;
	v19 =	vld [tilespmem:$0x1860];
	_ =	sdelay $0x3  }
0x50d: {  	v62 =	vld [tilespmem:$0x1870];
	[tilespmem:$0xA240] =	vst v18  }
0x50e: {  	v18 =	vand.u32 $0xFFFFFF80, v61;
	v17 =	vld.idx.msk [tilespmem:v17+s23+$0x0], $0xffff;
	v19 =	vshll.u32 v19, $0x7  }
0x50f: {  	v20 =	vand.u32 $0x7F, v61;
	v18 =	vadd.s32 v19, v18;
	v19 =	vld [tilespmem:$0x2570]  }
0x510: {  	v18 =	vor.u32 v20, v18;
	_ =	sdelay $0x3  }
0x511: {  	v63 =	vshll.u32 v62, $0x7;
	[tilespmem:$0xA250] =	vst v17;
	v17 =	vand.u32 $0xFFFFFF80, v19  }
0x512: {  	v19 =	vand.u32 $0x7F, v19;
	v17 =	vadd.s32 v63, v17;
	v18 =	vld.idx.msk [tilespmem:v18+s23+$0x0], $0xffff  }
0x513: {  	v17 =	vor.u32 v19, v17;
	_ =	sdelay $0x3  }
0x514: {  	[tilespmem:$0xA260] =	vst v18  }
0x515: {  	v17 =	vld.idx.msk [tilespmem:v17+s23+$0x0], $0xffff;
	_ =	sdelay $0x3  }
0x516: {  	s0 =	simm.s32 $0x9580  }
0x517: {  	s9 =	simm.s32 $0x3;
	s11 =	simm.s32 $0x2600;
	s6 =	rddreg [dreg:$0x5];
	[tilespmem:$0xA270] =	vst v17  }
0x518: {  	[hbm4b:s6+s2] =	stream.linear.scatter [tilespmem:s0], [sflag:$0x3], $0xD00, $0x38;
	[tilespmem:$0xA280] =	vst v63  }
0x519: {  	s12 =	simm.s32 $0x2680;
	s16 =	simm.s32 $0x2700;
	_ =	swait.ge [sflag:s9], $0xD00  }
0x51a: {  	s17 =	simm.s32 $0x2780;
	s18 =	simm.s32 $0x2800;
	s10 =	rddreg [dreg:$0x8]  }
0x51b: {  	s19 =	simm.s32 $0x2880;
	s26 =	rddreg [dreg:$0x6];
	s10 =	sadd.s32 $0x1, s10  }
0x51c: {  	s20 =	simm.s32 $0x2900;
	s21 =	simm.s32 $0x2980;
	p0 =	sne.s32 s10, s26  }
.Ltmp1:
0x51d: {  	s22 =	simm.s32 $0x2A00;
	s24 =	simm.s32 $0x2A80;
	(pc) =	sbr.rel @p0 .LBB2_1-.Ltmp1, $4  }
0x51e: {  	s25 =	simm.s32 $0x2B00;
	s28 =	simm.s32 $0x2C00;
	s29 =	simm.s32 $0x2C80  }
0x51f: {  	s1 =	simm.s32 $0x2D80;
	s13 =	simm.s32 $0x2E00;
	s14 =	simm.s32 $0x2E80  }
0x520: {  	s30 =	simm.s32 $0x2F00;
	s31 =	simm.s32 $0x2F80;
	[sflag:s9] =	ssyncset.done $0x0  }
0x521: {  	s0 =	simm.s32 $0x2D00;
	[sflag:s9] =	ssyncadd.s32 $0xFFFFF300;
	s26 =	simm.s32 $0x2B80  }
0x522: {  	_ =	sfence.sel $0x180000  }
0x523: {  	[bflag:$0x0] =	sbarrier.arrive $0xFFFF  }
0x524: {  	_ =	strace $0x90000047  }
0x525: {  	s0 =	stileid.u32;
	[bflag:$0x2] =	sbarrier.arrive $0xFFFF  }
0x526: {  	p0 =	sne.s32 s0, $0x0;
	s0 =	rddreg [dreg:$0x1]  }
0x527: {  	s0 =	sadd.s32 @!p0 $0x100000, s0  }
0x528: {  	[sflag:s0] =	ssyncadd.tile.s32 @!p0 $0x1;
	_ =	shalt  }
.Lfunc_end2:
_tile_overlayer_lowered:
.L_overlay_start_2:
0x529: {  	(tag) =	ssettag $0x2  }
0x52a: {  	s0 =	rddreg [dreg:$0x0];
	s2 =	stileid.u32  }
0x52b: {  	s1 =	rddreg [dreg:$0x1];
	p0 =	sne.s32 s2, $0x0  }
0x52c: {  	s3 =	rddreg [dreg:$0x2];
	[bflag:$0x3] =	sbarrier.arrive $0xFFFF;
	s2 =	simm.s32 @!p0 $0x1C03  }
0x52d: {  	[timem:s3], [sflag:s2] =	dma.local @!p0 [hbm:s0], s1  }
0x52e: {  	s0 =	simm.s32 @!p0 $0x3  }
0x52f: {  	_ =	swait.ge @!p0 [sflag:s0], s1  }
0x530: {  	s1 =	ssub.s32 @!p0 $0x0, s1;
	[sflag:s0] =	ssyncset.done @!p0 $0x0  }
0x531: {  	[sflag:s0] =	ssyncadd.s32 @!p0 s1  }
0x532: {  	[bflag:$0x3] =	sbarrier.arrive $0xFFFF  }
0x533: {  	_ =	shalt  }

</sc_bundles>
